<compile_context>
chip_gen: v7x
topology: tpu7x:2x2x1
jax: 0.10.2.dev20260603
libtpu: 0.0.44.dev20260713+nightly
codegen_flags: <defaults>
</compile_context>

<pallas_src>
import functools

import jax
import jax.numpy as jnp
from jax import lax
from jax.experimental import pallas as pl
from jax.experimental.pallas import tpu as pltpu
from jax.experimental.pallas import tpu_sc as plsc

VOCAB = 100000
DIM = 128
BATCH = 16384
HIST = 50
TOT = BATCH * HIST

_info = plsc.get_sparse_core_info()
NC, NS = _info.num_cores, _info.num_subcores
NW = NC * NS
BAT_W = BATCH // NW
PER_W = TOT // NW
CHUNK = 128
CPL = BAT_W // CHUNK
NCH = HIST * CPL
NB = 5
DEPTH = 3
NSTEP = NCH // NB


def _make_gather():
    mesh = plsc.VectorSubcoreMesh(core_axis_name="c", subcore_axis_name="s")

    @functools.partial(
        pl.kernel,
        mesh=mesh,
        out_type=jax.ShapeDtypeStruct((HIST, BATCH, DIM), jnp.float32),
        scratch_types=(
            [pltpu.VMEM((PER_W,), jnp.int32)]
            + [pltpu.VMEM((CHUNK, DIM), jnp.float32) for _ in range(NB)]
            + [pltpu.SemaphoreType.DMA]
            + [pltpu.SemaphoreType.DMA for _ in range(2 * NB)]
        ),
    )
    def gather_kernel(idx_hbm, table_hbm, out_hbm, idx_v, *bufs_and_sems):
        rows = bufs_and_sems[:NB]
        isem = bufs_and_sems[NB]
        gsem = bufs_and_sems[NB + 1 : NB + 1 + NB]
        wsem = bufs_and_sems[NB + 1 + NB : NB + 1 + 2 * NB]

        wid = lax.axis_index("s") * NC + lax.axis_index("c")
        bbase = wid * BAT_W

        for l in range(HIST):
            pltpu.async_copy(
                idx_hbm.at[pl.ds(l * BATCH + bbase, BAT_W)],
                idx_v.at[pl.ds(l * BAT_W, BAT_W)],
                isem,
            )
        pltpu.make_async_copy(idx_hbm.at[pl.ds(0, PER_W)], idx_v, isem).wait()

        def start_gather(t, b):
            idx_slice = idx_v.at[pl.ds(t * CHUNK, CHUNK)]
            pltpu.async_copy(table_hbm.at[idx_slice], rows[b], gsem[b])

        def start_store(t, b):
            l = t // CPL
            c = t - l * CPL
            pltpu.async_copy(
                rows[b], out_hbm.at[l, pl.ds(bbase + c * CHUNK, CHUNK)], wsem[b]
            )

        def wait_store(b):
            pltpu.make_async_copy(
                rows[b], out_hbm.at[0, pl.ds(bbase, CHUNK)], wsem[b]
            ).wait()

        def wait_gather(b):
            pltpu.make_async_copy(
                table_hbm.at[idx_v.at[pl.ds(0, CHUNK)]], rows[b], gsem[b]
            ).wait()

        for d in range(DEPTH):
            start_gather(d, d)

        def step_body(s, carry):
            for b in range(NB):
                t = s * NB + b
                gn = t + DEPTH
                bg = (b + DEPTH) % NB

                @pl.when(jnp.logical_and(gn >= NB, gn < NCH))
                def _():
                    wait_store(bg)

                @pl.when(gn < NCH)
                def _():
                    start_gather(gn, bg)

                wait_gather(b)
                start_store(t, b)
            return carry

        lax.fori_loop(0, NSTEP, step_body, 0)

        for b in range(NB):
            wait_store(b)

    return gather_kernel


_gather = _make_gather()


def kernel(indices, table):
    flat = jnp.reshape(jnp.transpose(indices.astype(jnp.int32)), (TOT,))
    out = _gather(flat, table)
    return jnp.transpose(out, (1, 0, 2))

# --- scband reference (transcript-rebuilt; emitter-appended) ---
"""Pipeline reference for scband-knowledge-integration-layer-17145509446367 (READ-ONLY COPY).

The authoritative reference and input builder live on the scoring server;
editing this copy changes nothing except your own understanding.
"""

import jax, jax.numpy as jnp
import numpy as np

VOCAB = 100000
DIM = 128
BATCH = 16384
HIST = 50

def setup_inputs(seed: int = 0) -> dict:
    key = jax.random.key(seed)
    k1, k2 = jax.random.split(key)
    indices = jax.random.randint(k1, (BATCH, HIST), 0, VOCAB)
    # learned embedding table (xavier-uniform style init)
    limit = np.sqrt(6.0 / (VOCAB + DIM))
    table = jax.random.uniform(k2, (VOCAB, DIM), dtype=jnp.float32, minval=-limit, maxval=limit)
    return {"indices": indices, "table": table}

def reference(indices, table):
    # Knowledge-base concept embedding lookup: phi_i : K_i -> R^{d_k}
    emb = jnp.take(table, indices, axis=0)  # [B, L, D]
    return emb

if __name__ == "__main__":
    import jax
    _d = setup_inputs()
    print(jax.jit(kernel)(*tuple(_d.values())))

</pallas_src>

<mosaic_0001>
#map = affine_map<(d0, d1) -> (0)>
#map1 = affine_map<(d0, d1) -> (0, 0)>
#map2 = affine_map<(d0, d1) -> (0, 0, 0)>
module attributes {stable_mosaic.version = 14 : i64} {
  func.func @gather_kernel(%arg0: i32, %arg1: i32, %arg2: memref<819200xi32, #tpu.memory_space<hbm>>, %arg3: memref<100000x128xf32, #tpu.memory_space<hbm>>, %arg4: memref<50x16384x128xf32, #tpu.memory_space<hbm>>, %arg5: memref<25600xi32, #tpu.memory_space<vmem>>, %arg6: memref<128x128xf32, #tpu.memory_space<vmem>>, %arg7: memref<128x128xf32, #tpu.memory_space<vmem>>, %arg8: memref<128x128xf32, #tpu.memory_space<vmem>>, %arg9: memref<128x128xf32, #tpu.memory_space<vmem>>, %arg10: memref<128x128xf32, #tpu.memory_space<vmem>>, %arg11: memref<!tpu.dma_semaphore, #tpu.memory_space<semaphore_mem>>, %arg12: memref<!tpu.dma_semaphore, #tpu.memory_space<semaphore_mem>>, %arg13: memref<!tpu.dma_semaphore, #tpu.memory_space<semaphore_mem>>, %arg14: memref<!tpu.dma_semaphore, #tpu.memory_space<semaphore_mem>>, %arg15: memref<!tpu.dma_semaphore, #tpu.memory_space<semaphore_mem>>, %arg16: memref<!tpu.dma_semaphore, #tpu.memory_space<semaphore_mem>>, %arg17: memref<!tpu.dma_semaphore, #tpu.memory_space<semaphore_mem>>, %arg18: memref<!tpu.dma_semaphore, #tpu.memory_space<semaphore_mem>>, %arg19: memref<!tpu.dma_semaphore, #tpu.memory_space<semaphore_mem>>, %arg20: memref<!tpu.dma_semaphore, #tpu.memory_space<semaphore_mem>>, %arg21: memref<!tpu.dma_semaphore, #tpu.memory_space<semaphore_mem>>) attributes {dimension_semantics = [#tpu.dimension_semantics<core_parallel>, #tpu.dimension_semantics<subcore_parallel>], iteration_bounds = array<i64: 2, 16>, scalar_prefetch = 0 : i64, scratch_operands = 17 : i64, tpu.core_type = #tpu.core_type<sc_vector_subcore>, window_params = [{transform_indices = #map}, {transform_indices = #map1}, {transform_indices = #map2}]} {
    %mul3A = arith.constant 2 : i32
    %mul3A_0 = arith.muli %arg1, %mul3A : i32
    %add3A = arith.addi %mul3A_0, %arg0 : i32
    %mul3A_1 = arith.constant 512 : i32
    %mul3A_2 = arith.muli %add3A, %mul3A_1 : i32
    %add3A_3 = arith.constant 0 : i32
    %add3A_4 = arith.addi %add3A_3, %mul3A_2 : i32
    %dma_start3A = arith.constant 0 : i32
    %dma_start3A_5 = tpu.memref_slice %arg5[%dma_start3A] : memref<25600xi32, #tpu.memory_space<vmem>> -> memref<512xi32, #tpu.memory_space<vmem>>
    %dma_start3A_6 = tpu.memref_slice %arg2[%add3A_4] : memref<819200xi32, #tpu.memory_space<hbm>> -> memref<512xi32, #tpu.memory_space<hbm>>
    %dma_start3A_7 = arith.constant 0 : i32
    %dma_start3A_8 = tpu.memref_slice %arg5[%dma_start3A_7] : memref<25600xi32, #tpu.memory_space<vmem>> -> memref<512xi32, #tpu.memory_space<vmem>>
    %dma_start3A_9 = tpu.memref_slice %arg2[%add3A_4] : memref<819200xi32, #tpu.memory_space<hbm>> -> memref<512xi32, #tpu.memory_space<hbm>>
    tpu.enqueue_dma source(%dma_start3A_9 : memref<512xi32, #tpu.memory_space<hbm>>) target(%dma_start3A_8 : memref<512xi32, #tpu.memory_space<vmem>>) target_semaphore(%arg11 : memref<!tpu.dma_semaphore, #tpu.memory_space<semaphore_mem>>)
    %add3A_10 = arith.constant 16384 : i32
    %add3A_11 = arith.addi %add3A_10, %mul3A_2 : i32
    %dma_start3A_12 = arith.constant 512 : i32
    %dma_start3A_13 = tpu.memref_slice %arg5[%dma_start3A_12] : memref<25600xi32, #tpu.memory_space<vmem>> -> memref<512xi32, #tpu.memory_space<vmem>>
    %dma_start3A_14 = tpu.memref_slice %arg2[%add3A_11] : memref<819200xi32, #tpu.memory_space<hbm>> -> memref<512xi32, #tpu.memory_space<hbm>>
    %dma_start3A_15 = arith.constant 512 : i32
    %dma_start3A_16 = tpu.memref_slice %arg5[%dma_start3A_15] : memref<25600xi32, #tpu.memory_space<vmem>> -> memref<512xi32, #tpu.memory_space<vmem>>
    %dma_start3A_17 = tpu.memref_slice %arg2[%add3A_11] : memref<819200xi32, #tpu.memory_space<hbm>> -> memref<512xi32, #tpu.memory_space<hbm>>
    tpu.enqueue_dma source(%dma_start3A_17 : memref<512xi32, #tpu.memory_space<hbm>>) target(%dma_start3A_16 : memref<512xi32, #tpu.memory_space<vmem>>) target_semaphore(%arg11 : memref<!tpu.dma_semaphore, #tpu.memory_space<semaphore_mem>>)
    %add3A_18 = arith.constant 32768 : i32
    %add3A_19 = arith.addi %add3A_18, %mul3A_2 : i32
    %dma_start3A_20 = arith.constant 1024 : i32
    %dma_start3A_21 = tpu.memref_slice %arg5[%dma_start3A_20] : memref<25600xi32, #tpu.memory_space<vmem>> -> memref<512xi32, #tpu.memory_space<vmem>>
    %dma_start3A_22 = tpu.memref_slice %arg2[%add3A_19] : memref<819200xi32, #tpu.memory_space<hbm>> -> memref<512xi32, #tpu.memory_space<hbm>>
    %dma_start3A_23 = arith.constant 1024 : i32
    %dma_start3A_24 = tpu.memref_slice %arg5[%dma_start3A_23] : memref<25600xi32, #tpu.memory_space<vmem>> -> memref<512xi32, #tpu.memory_space<vmem>>
    %dma_start3A_25 = tpu.memref_slice %arg2[%add3A_19] : memref<819200xi32, #tpu.memory_space<hbm>> -> memref<512xi32, #tpu.memory_space<hbm>>
    tpu.enqueue_dma source(%dma_start3A_25 : memref<512xi32, #tpu.memory_space<hbm>>) target(%dma_start3A_24 : memref<512xi32, #tpu.memory_space<vmem>>) target_semaphore(%arg11 : memref<!tpu.dma_semaphore, #tpu.memory_space<semaphore_mem>>)
    %add3A_26 = arith.constant 49152 : i32
    %add3A_27 = arith.addi %add3A_26, %mul3A_2 : i32
    %dma_start3A_28 = arith.constant 1536 : i32
    %dma_start3A_29 = tpu.memref_slice %arg5[%dma_start3A_28] : memref<25600xi32, #tpu.memory_space<vmem>> -> memref<512xi32, #tpu.memory_space<vmem>>
    %dma_start3A_30 = tpu.memref_slice %arg2[%add3A_27] : memref<819200xi32, #tpu.memory_space<hbm>> -> memref<512xi32, #tpu.memory_space<hbm>>
    %dma_start3A_31 = arith.constant 1536 : i32
    %dma_start3A_32 = tpu.memref_slice %arg5[%dma_start3A_31] : memref<25600xi32, #tpu.memory_space<vmem>> -> memref<512xi32, #tpu.memory_space<vmem>>
    %dma_start3A_33 = tpu.memref_slice %arg2[%add3A_27] : memref<819200xi32, #tpu.memory_space<hbm>> -> memref<512xi32, #tpu.memory_space<hbm>>
    tpu.enqueue_dma source(%dma_start3A_33 : memref<512xi32, #tpu.memory_space<hbm>>) target(%dma_start3A_32 : memref<512xi32, #tpu.memory_space<vmem>>) target_semaphore(%arg11 : memref<!tpu.dma_semaphore, #tpu.memory_space<semaphore_mem>>)
    %add3A_34 = arith.constant 65536 : i32
    %add3A_35 = arith.addi %add3A_34, %mul3A_2 : i32
    %dma_start3A_36 = arith.constant 2048 : i32
    %dma_start3A_37 = tpu.memref_slice %arg5[%dma_start3A_36] : memref<25600xi32, #tpu.memory_space<vmem>> -> memref<512xi32, #tpu.memory_space<vmem>>
    %dma_start3A_38 = tpu.memref_slice %arg2[%add3A_35] : memref<819200xi32, #tpu.memory_space<hbm>> -> memref<512xi32, #tpu.memory_space<hbm>>
    %dma_start3A_39 = arith.constant 2048 : i32
    %dma_start3A_40 = tpu.memref_slice %arg5[%dma_start3A_39] : memref<25600xi32, #tpu.memory_space<vmem>> -> memref<512xi32, #tpu.memory_space<vmem>>
    %dma_start3A_41 = tpu.memref_slice %arg2[%add3A_35] : memref<819200xi32, #tpu.memory_space<hbm>> -> memref<512xi32, #tpu.memory_space<hbm>>
    tpu.enqueue_dma source(%dma_start3A_41 : memref<512xi32, #tpu.memory_space<hbm>>) target(%dma_start3A_40 : memref<512xi32, #tpu.memory_space<vmem>>) target_semaphore(%arg11 : memref<!tpu.dma_semaphore, #tpu.memory_space<semaphore_mem>>)
    %add3A_42 = arith.constant 81920 : i32
    %add3A_43 = arith.addi %add3A_42, %mul3A_2 : i32
    %dma_start3A_44 = arith.constant 2560 : i32
    %dma_start3A_45 = tpu.memref_slice %arg5[%dma_start3A_44] : memref<25600xi32, #tpu.memory_space<vmem>> -> memref<512xi32, #tpu.memory_space<vmem>>
    %dma_start3A_46 = tpu.memref_slice %arg2[%add3A_43] : memref<819200xi32, #tpu.memory_space<hbm>> -> memref<512xi32, #tpu.memory_space<hbm>>
    %dma_start3A_47 = arith.constant 2560 : i32
    %dma_start3A_48 = tpu.memref_slice %arg5[%dma_start3A_47] : memref<25600xi32, #tpu.memory_space<vmem>> -> memref<512xi32, #tpu.memory_space<vmem>>
    %dma_start3A_49 = tpu.memref_slice %arg2[%add3A_43] : memref<819200xi32, #tpu.memory_space<hbm>> -> memref<512xi32, #tpu.memory_space<hbm>>
    tpu.enqueue_dma source(%dma_start3A_49 : memref<512xi32, #tpu.memory_space<hbm>>) target(%dma_start3A_48 : memref<512xi32, #tpu.memory_space<vmem>>) target_semaphore(%arg11 : memref<!tpu.dma_semaphore, #tpu.memory_space<semaphore_mem>>)
    %add3A_50 = arith.constant 98304 : i32
    %add3A_51 = arith.addi %add3A_50, %mul3A_2 : i32
    %dma_start3A_52 = arith.constant 3072 : i32
    %dma_start3A_53 = tpu.memref_slice %arg5[%dma_start3A_52] : memref<25600xi32, #tpu.memory_space<vmem>> -> memref<512xi32, #tpu.memory_space<vmem>>
    %dma_start3A_54 = tpu.memref_slice %arg2[%add3A_51] : memref<819200xi32, #tpu.memory_space<hbm>> -> memref<512xi32, #tpu.memory_space<hbm>>
    %dma_start3A_55 = arith.constant 3072 : i32
    %dma_start3A_56 = tpu.memref_slice %arg5[%dma_start3A_55] : memref<25600xi32, #tpu.memory_space<vmem>> -> memref<512xi32, #tpu.memory_space<vmem>>
    %dma_start3A_57 = tpu.memref_slice %arg2[%add3A_51] : memref<819200xi32, #tpu.memory_space<hbm>> -> memref<512xi32, #tpu.memory_space<hbm>>
    tpu.enqueue_dma source(%dma_start3A_57 : memref<512xi32, #tpu.memory_space<hbm>>) target(%dma_start3A_56 : memref<512xi32, #tpu.memory_space<vmem>>) target_semaphore(%arg11 : memref<!tpu.dma_semaphore, #tpu.memory_space<semaphore_mem>>)
    %add3A_58 = arith.constant 114688 : i32
    %add3A_59 = arith.addi %add3A_58, %mul3A_2 : i32
    %dma_start3A_60 = arith.constant 3584 : i32
    %dma_start3A_61 = tpu.memref_slice %arg5[%dma_start3A_60] : memref<25600xi32, #tpu.memory_space<vmem>> -> memref<512xi32, #tpu.memory_space<vmem>>
    %dma_start3A_62 = tpu.memref_slice %arg2[%add3A_59] : memref<819200xi32, #tpu.memory_space<hbm>> -> memref<512xi32, #tpu.memory_space<hbm>>
    %dma_start3A_63 = arith.constant 3584 : i32
    %dma_start3A_64 = tpu.memref_slice %arg5[%dma_start3A_63] : memref<25600xi32, #tpu.memory_space<vmem>> -> memref<512xi32, #tpu.memory_space<vmem>>
    %dma_start3A_65 = tpu.memref_slice %arg2[%add3A_59] : memref<819200xi32, #tpu.memory_space<hbm>> -> memref<512xi32, #tpu.memory_space<hbm>>
    tpu.enqueue_dma source(%dma_start3A_65 : memref<512xi32, #tpu.memory_space<hbm>>) target(%dma_start3A_64 : memref<512xi32, #tpu.memory_space<vmem>>) target_semaphore(%arg11 : memref<!tpu.dma_semaphore, #tpu.memory_space<semaphore_mem>>)
    %add3A_66 = arith.constant 131072 : i32
    %add3A_67 = arith.addi %add3A_66, %mul3A_2 : i32
    %dma_start3A_68 = arith.constant 4096 : i32
    %dma_start3A_69 = tpu.memref_slice %arg5[%dma_start3A_68] : memref<25600xi32, #tpu.memory_space<vmem>> -> memref<512xi32, #tpu.memory_space<vmem>>
    %dma_start3A_70 = tpu.memref_slice %arg2[%add3A_67] : memref<819200xi32, #tpu.memory_space<hbm>> -> memref<512xi32, #tpu.memory_space<hbm>>
    %dma_start3A_71 = arith.constant 4096 : i32
    %dma_start3A_72 = tpu.memref_slice %arg5[%dma_start3A_71] : memref<25600xi32, #tpu.memory_space<vmem>> -> memref<512xi32, #tpu.memory_space<vmem>>
    %dma_start3A_73 = tpu.memref_slice %arg2[%add3A_67] : memref<819200xi32, #tpu.memory_space<hbm>> -> memref<512xi32, #tpu.memory_space<hbm>>
    tpu.enqueue_dma source(%dma_start3A_73 : memref<512xi32, #tpu.memory_space<hbm>>) target(%dma_start3A_72 : memref<512xi32, #tpu.memory_space<vmem>>) target_semaphore(%arg11 : memref<!tpu.dma_semaphore, #tpu.memory_space<semaphore_mem>>)
    %add3A_74 = arith.constant 147456 : i32
    %add3A_75 = arith.addi %add3A_74, %mul3A_2 : i32
    %dma_start3A_76 = arith.constant 4608 : i32
    %dma_start3A_77 = tpu.memref_slice %arg5[%dma_start3A_76] : memref<25600xi32, #tpu.memory_space<vmem>> -> memref<512xi32, #tpu.memory_space<vmem>>
    %dma_start3A_78 = tpu.memref_slice %arg2[%add3A_75] : memref<819200xi32, #tpu.memory_space<hbm>> -> memref<512xi32, #tpu.memory_space<hbm>>
    %dma_start3A_79 = arith.constant 4608 : i32
    %dma_start3A_80 = tpu.memref_slice %arg5[%dma_start3A_79] : memref<25600xi32, #tpu.memory_space<vmem>> -> memref<512xi32, #tpu.memory_space<vmem>>
    %dma_start3A_81 = tpu.memref_slice %arg2[%add3A_75] : memref<819200xi32, #tpu.memory_space<hbm>> -> memref<512xi32, #tpu.memory_space<hbm>>
    tpu.enqueue_dma source(%dma_start3A_81 : memref<512xi32, #tpu.memory_space<hbm>>) target(%dma_start3A_80 : memref<512xi32, #tpu.memory_space<vmem>>) target_semaphore(%arg11 : memref<!tpu.dma_semaphore, #tpu.memory_space<semaphore_mem>>)
    %add3A_82 = arith.constant 163840 : i32
    %add3A_83 = arith.addi %add3A_82, %mul3A_2 : i32
    %dma_start3A_84 = arith.constant 5120 : i32
    %dma_start3A_85 = tpu.memref_slice %arg5[%dma_start3A_84] : memref<25600xi32, #tpu.memory_space<vmem>> -> memref<512xi32, #tpu.memory_space<vmem>>
    %dma_start3A_86 = tpu.memref_slice %arg2[%add3A_83] : memref<819200xi32, #tpu.memory_space<hbm>> -> memref<512xi32, #tpu.memory_space<hbm>>
    %dma_start3A_87 = arith.constant 5120 : i32
    %dma_start3A_88 = tpu.memref_slice %arg5[%dma_start3A_87] : memref<25600xi32, #tpu.memory_space<vmem>> -> memref<512xi32, #tpu.memory_space<vmem>>
    %dma_start3A_89 = tpu.memref_slice %arg2[%add3A_83] : memref<819200xi32, #tpu.memory_space<hbm>> -> memref<512xi32, #tpu.memory_space<hbm>>
    tpu.enqueue_dma source(%dma_start3A_89 : memref<512xi32, #tpu.memory_space<hbm>>) target(%dma_start3A_88 : memref<512xi32, #tpu.memory_space<vmem>>) target_semaphore(%arg11 : memref<!tpu.dma_semaphore, #tpu.memory_space<semaphore_mem>>)
    %add3A_90 = arith.constant 180224 : i32
    %add3A_91 = arith.addi %add3A_90, %mul3A_2 : i32
    %dma_start3A_92 = arith.constant 5632 : i32
    %dma_start3A_93 = tpu.memref_slice %arg5[%dma_start3A_92] : memref<25600xi32, #tpu.memory_space<vmem>> -> memref<512xi32, #tpu.memory_space<vmem>>
    %dma_start3A_94 = tpu.memref_slice %arg2[%add3A_91] : memref<819200xi32, #tpu.memory_space<hbm>> -> memref<512xi32, #tpu.memory_space<hbm>>
    %dma_start3A_95 = arith.constant 5632 : i32
    %dma_start3A_96 = tpu.memref_slice %arg5[%dma_start3A_95] : memref<25600xi32, #tpu.memory_space<vmem>> -> memref<512xi32, #tpu.memory_space<vmem>>
    %dma_start3A_97 = tpu.memref_slice %arg2[%add3A_91] : memref<819200xi32, #tpu.memory_space<hbm>> -> memref<512xi32, #tpu.memory_space<hbm>>
    tpu.enqueue_dma source(%dma_start3A_97 : memref<512xi32, #tpu.memory_space<hbm>>) target(%dma_start3A_96 : memref<512xi32, #tpu.memory_space<vmem>>) target_semaphore(%arg11 : memref<!tpu.dma_semaphore, #tpu.memory_space<semaphore_mem>>)
    %add3A_98 = arith.constant 196608 : i32
    %add3A_99 = arith.addi %add3A_98, %mul3A_2 : i32
    %dma_start3A_100 = arith.constant 6144 : i32
    %dma_start3A_101 = tpu.memref_slice %arg5[%dma_start3A_100] : memref<25600xi32, #tpu.memory_space<vmem>> -> memref<512xi32, #tpu.memory_space<vmem>>
    %dma_start3A_102 = tpu.memref_slice %arg2[%add3A_99] : memref<819200xi32, #tpu.memory_space<hbm>> -> memref<512xi32, #tpu.memory_space<hbm>>
    %dma_start3A_103 = arith.constant 6144 : i32
    %dma_start3A_104 = tpu.memref_slice %arg5[%dma_start3A_103] : memref<25600xi32, #tpu.memory_space<vmem>> -> memref<512xi32, #tpu.memory_space<vmem>>
    %dma_start3A_105 = tpu.memref_slice %arg2[%add3A_99] : memref<819200xi32, #tpu.memory_space<hbm>> -> memref<512xi32, #tpu.memory_space<hbm>>
    tpu.enqueue_dma source(%dma_start3A_105 : memref<512xi32, #tpu.memory_space<hbm>>) target(%dma_start3A_104 : memref<512xi32, #tpu.memory_space<vmem>>) target_semaphore(%arg11 : memref<!tpu.dma_semaphore, #tpu.memory_space<semaphore_mem>>)
    %add3A_106 = arith.constant 212992 : i32
    %add3A_107 = arith.addi %add3A_106, %mul3A_2 : i32
    %dma_start3A_108 = arith.constant 6656 : i32
    %dma_start3A_109 = tpu.memref_slice %arg5[%dma_start3A_108] : memref<25600xi32, #tpu.memory_space<vmem>> -> memref<512xi32, #tpu.memory_space<vmem>>
    %dma_start3A_110 = tpu.memref_slice %arg2[%add3A_107] : memref<819200xi32, #tpu.memory_space<hbm>> -> memref<512xi32, #tpu.memory_space<hbm>>
    %dma_start3A_111 = arith.constant 6656 : i32
    %dma_start3A_112 = tpu.memref_slice %arg5[%dma_start3A_111] : memref<25600xi32, #tpu.memory_space<vmem>> -> memref<512xi32, #tpu.memory_space<vmem>>
    %dma_start3A_113 = tpu.memref_slice %arg2[%add3A_107] : memref<819200xi32, #tpu.memory_space<hbm>> -> memref<512xi32, #tpu.memory_space<hbm>>
    tpu.enqueue_dma source(%dma_start3A_113 : memref<512xi32, #tpu.memory_space<hbm>>) target(%dma_start3A_112 : memref<512xi32, #tpu.memory_space<vmem>>) target_semaphore(%arg11 : memref<!tpu.dma_semaphore, #tpu.memory_space<semaphore_mem>>)
    %add3A_114 = arith.constant 229376 : i32
    %add3A_115 = arith.addi %add3A_114, %mul3A_2 : i32
    %dma_start3A_116 = arith.constant 7168 : i32
    %dma_start3A_117 = tpu.memref_slice %arg5[%dma_start3A_116] : memref<25600xi32, #tpu.memory_space<vmem>> -> memref<512xi32, #tpu.memory_space<vmem>>
    %dma_start3A_118 = tpu.memref_slice %arg2[%add3A_115] : memref<819200xi32, #tpu.memory_space<hbm>> -> memref<512xi32, #tpu.memory_space<hbm>>
    %dma_start3A_119 = arith.constant 7168 : i32
    %dma_start3A_120 = tpu.memref_slice %arg5[%dma_start3A_119] : memref<25600xi32, #tpu.memory_space<vmem>> -> memref<512xi32, #tpu.memory_space<vmem>>
    %dma_start3A_121 = tpu.memref_slice %arg2[%add3A_115] : memref<819200xi32, #tpu.memory_space<hbm>> -> memref<512xi32, #tpu.memory_space<hbm>>
    tpu.enqueue_dma source(%dma_start3A_121 : memref<512xi32, #tpu.memory_space<hbm>>) target(%dma_start3A_120 : memref<512xi32, #tpu.memory_space<vmem>>) target_semaphore(%arg11 : memref<!tpu.dma_semaphore, #tpu.memory_space<semaphore_mem>>)
    %add3A_122 = arith.constant 245760 : i32
    %add3A_123 = arith.addi %add3A_122, %mul3A_2 : i32
    %dma_start3A_124 = arith.constant 7680 : i32
    %dma_start3A_125 = tpu.memref_slice %arg5[%dma_start3A_124] : memref<25600xi32, #tpu.memory_space<vmem>> -> memref<512xi32, #tpu.memory_space<vmem>>
    %dma_start3A_126 = tpu.memref_slice %arg2[%add3A_123] : memref<819200xi32, #tpu.memory_space<hbm>> -> memref<512xi32, #tpu.memory_space<hbm>>
    %dma_start3A_127 = arith.constant 7680 : i32
    %dma_start3A_128 = tpu.memref_slice %arg5[%dma_start3A_127] : memref<25600xi32, #tpu.memory_space<vmem>> -> memref<512xi32, #tpu.memory_space<vmem>>
    %dma_start3A_129 = tpu.memref_slice %arg2[%add3A_123] : memref<819200xi32, #tpu.memory_space<hbm>> -> memref<512xi32, #tpu.memory_space<hbm>>
    tpu.enqueue_dma source(%dma_start3A_129 : memref<512xi32, #tpu.memory_space<hbm>>) target(%dma_start3A_128 : memref<512xi32, #tpu.memory_space<vmem>>) target_semaphore(%arg11 : memref<!tpu.dma_semaphore, #tpu.memory_space<semaphore_mem>>)
    %add3A_130 = arith.constant 262144 : i32
    %add3A_131 = arith.addi %add3A_130, %mul3A_2 : i32
    %dma_start3A_132 = arith.constant 8192 : i32
    %dma_start3A_133 = tpu.memref_slice %arg5[%dma_start3A_132] : memref<25600xi32, #tpu.memory_space<vmem>> -> memref<512xi32, #tpu.memory_space<vmem>>
    %dma_start3A_134 = tpu.memref_slice %arg2[%add3A_131] : memref<819200xi32, #tpu.memory_space<hbm>> -> memref<512xi32, #tpu.memory_space<hbm>>
    %dma_start3A_135 = arith.constant 8192 : i32
    %dma_start3A_136 = tpu.memref_slice %arg5[%dma_start3A_135] : memref<25600xi32, #tpu.memory_space<vmem>> -> memref<512xi32, #tpu.memory_space<vmem>>
    %dma_start3A_137 = tpu.memref_slice %arg2[%add3A_131] : memref<819200xi32, #tpu.memory_space<hbm>> -> memref<512xi32, #tpu.memory_space<hbm>>
    tpu.enqueue_dma source(%dma_start3A_137 : memref<512xi32, #tpu.memory_space<hbm>>) target(%dma_start3A_136 : memref<512xi32, #tpu.memory_space<vmem>>) target_semaphore(%arg11 : memref<!tpu.dma_semaphore, #tpu.memory_space<semaphore_mem>>)
    %add3A_138 = arith.constant 278528 : i32
    %add3A_139 = arith.addi %add3A_138, %mul3A_2 : i32
    %dma_start3A_140 = arith.constant 8704 : i32
    %dma_start3A_141 = tpu.memref_slice %arg5[%dma_start3A_140] : memref<25600xi32, #tpu.memory_space<vmem>> -> memref<512xi32, #tpu.memory_space<vmem>>
    %dma_start3A_142 = tpu.memref_slice %arg2[%add3A_139] : memref<819200xi32, #tpu.memory_space<hbm>> -> memref<512xi32, #tpu.memory_space<hbm>>
    %dma_start3A_143 = arith.constant 8704 : i32
    %dma_start3A_144 = tpu.memref_slice %arg5[%dma_start3A_143] : memref<25600xi32, #tpu.memory_space<vmem>> -> memref<512xi32, #tpu.memory_space<vmem>>
    %dma_start3A_145 = tpu.memref_slice %arg2[%add3A_139] : memref<819200xi32, #tpu.memory_space<hbm>> -> memref<512xi32, #tpu.memory_space<hbm>>
    tpu.enqueue_dma source(%dma_start3A_145 : memref<512xi32, #tpu.memory_space<hbm>>) target(%dma_start3A_144 : memref<512xi32, #tpu.memory_space<vmem>>) target_semaphore(%arg11 : memref<!tpu.dma_semaphore, #tpu.memory_space<semaphore_mem>>)
    %add3A_146 = arith.constant 294912 : i32
    %add3A_147 = arith.addi %add3A_146, %mul3A_2 : i32
    %dma_start3A_148 = arith.constant 9216 : i32
    %dma_start3A_149 = tpu.memref_slice %arg5[%dma_start3A_148] : memref<25600xi32, #tpu.memory_space<vmem>> -> memref<512xi32, #tpu.memory_space<vmem>>
    %dma_start3A_150 = tpu.memref_slice %arg2[%add3A_147] : memref<819200xi32, #tpu.memory_space<hbm>> -> memref<512xi32, #tpu.memory_space<hbm>>
    %dma_start3A_151 = arith.constant 9216 : i32
    %dma_start3A_152 = tpu.memref_slice %arg5[%dma_start3A_151] : memref<25600xi32, #tpu.memory_space<vmem>> -> memref<512xi32, #tpu.memory_space<vmem>>
    %dma_start3A_153 = tpu.memref_slice %arg2[%add3A_147] : memref<819200xi32, #tpu.memory_space<hbm>> -> memref<512xi32, #tpu.memory_space<hbm>>
    tpu.enqueue_dma source(%dma_start3A_153 : memref<512xi32, #tpu.memory_space<hbm>>) target(%dma_start3A_152 : memref<512xi32, #tpu.memory_space<vmem>>) target_semaphore(%arg11 : memref<!tpu.dma_semaphore, #tpu.memory_space<semaphore_mem>>)
    %add3A_154 = arith.constant 311296 : i32
    %add3A_155 = arith.addi %add3A_154, %mul3A_2 : i32
    %dma_start3A_156 = arith.constant 9728 : i32
    %dma_start3A_157 = tpu.memref_slice %arg5[%dma_start3A_156] : memref<25600xi32, #tpu.memory_space<vmem>> -> memref<512xi32, #tpu.memory_space<vmem>>
    %dma_start3A_158 = tpu.memref_slice %arg2[%add3A_155] : memref<819200xi32, #tpu.memory_space<hbm>> -> memref<512xi32, #tpu.memory_space<hbm>>
    %dma_start3A_159 = arith.constant 9728 : i32
    %dma_start3A_160 = tpu.memref_slice %arg5[%dma_start3A_159] : memref<25600xi32, #tpu.memory_space<vmem>> -> memref<512xi32, #tpu.memory_space<vmem>>
    %dma_start3A_161 = tpu.memref_slice %arg2[%add3A_155] : memref<819200xi32, #tpu.memory_space<hbm>> -> memref<512xi32, #tpu.memory_space<hbm>>
    tpu.enqueue_dma source(%dma_start3A_161 : memref<512xi32, #tpu.memory_space<hbm>>) target(%dma_start3A_160 : memref<512xi32, #tpu.memory_space<vmem>>) target_semaphore(%arg11 : memref<!tpu.dma_semaphore, #tpu.memory_space<semaphore_mem>>)
    %add3A_162 = arith.constant 327680 : i32
    %add3A_163 = arith.addi %add3A_162, %mul3A_2 : i32
    %dma_start3A_164 = arith.constant 10240 : i32
    %dma_start3A_165 = tpu.memref_slice %arg5[%dma_start3A_164] : memref<25600xi32, #tpu.memory_space<vmem>> -> memref<512xi32, #tpu.memory_space<vmem>>
    %dma_start3A_166 = tpu.memref_slice %arg2[%add3A_163] : memref<819200xi32, #tpu.memory_space<hbm>> -> memref<512xi32, #tpu.memory_space<hbm>>
    %dma_start3A_167 = arith.constant 10240 : i32
    %dma_start3A_168 = tpu.memref_slice %arg5[%dma_start3A_167] : memref<25600xi32, #tpu.memory_space<vmem>> -> memref<512xi32, #tpu.memory_space<vmem>>
    %dma_start3A_169 = tpu.memref_slice %arg2[%add3A_163] : memref<819200xi32, #tpu.memory_space<hbm>> -> memref<512xi32, #tpu.memory_space<hbm>>
    tpu.enqueue_dma source(%dma_start3A_169 : memref<512xi32, #tpu.memory_space<hbm>>) target(%dma_start3A_168 : memref<512xi32, #tpu.memory_space<vmem>>) target_semaphore(%arg11 : memref<!tpu.dma_semaphore, #tpu.memory_space<semaphore_mem>>)
    %add3A_170 = arith.constant 344064 : i32
    %add3A_171 = arith.addi %add3A_170, %mul3A_2 : i32
    %dma_start3A_172 = arith.constant 10752 : i32
    %dma_start3A_173 = tpu.memref_slice %arg5[%dma_start3A_172] : memref<25600xi32, #tpu.memory_space<vmem>> -> memref<512xi32, #tpu.memory_space<vmem>>
    %dma_start3A_174 = tpu.memref_slice %arg2[%add3A_171] : memref<819200xi32, #tpu.memory_space<hbm>> -> memref<512xi32, #tpu.memory_space<hbm>>
    %dma_start3A_175 = arith.constant 10752 : i32
    %dma_start3A_176 = tpu.memref_slice %arg5[%dma_start3A_175] : memref<25600xi32, #tpu.memory_space<vmem>> -> memref<512xi32, #tpu.memory_space<vmem>>
    %dma_start3A_177 = tpu.memref_slice %arg2[%add3A_171] : memref<819200xi32, #tpu.memory_space<hbm>> -> memref<512xi32, #tpu.memory_space<hbm>>
    tpu.enqueue_dma source(%dma_start3A_177 : memref<512xi32, #tpu.memory_space<hbm>>) target(%dma_start3A_176 : memref<512xi32, #tpu.memory_space<vmem>>) target_semaphore(%arg11 : memref<!tpu.dma_semaphore, #tpu.memory_space<semaphore_mem>>)
    %add3A_178 = arith.constant 360448 : i32
    %add3A_179 = arith.addi %add3A_178, %mul3A_2 : i32
    %dma_start3A_180 = arith.constant 11264 : i32
    %dma_start3A_181 = tpu.memref_slice %arg5[%dma_start3A_180] : memref<25600xi32, #tpu.memory_space<vmem>> -> memref<512xi32, #tpu.memory_space<vmem>>
    %dma_start3A_182 = tpu.memref_slice %arg2[%add3A_179] : memref<819200xi32, #tpu.memory_space<hbm>> -> memref<512xi32, #tpu.memory_space<hbm>>
    %dma_start3A_183 = arith.constant 11264 : i32
    %dma_start3A_184 = tpu.memref_slice %arg5[%dma_start3A_183] : memref<25600xi32, #tpu.memory_space<vmem>> -> memref<512xi32, #tpu.memory_space<vmem>>
    %dma_start3A_185 = tpu.memref_slice %arg2[%add3A_179] : memref<819200xi32, #tpu.memory_space<hbm>> -> memref<512xi32, #tpu.memory_space<hbm>>
    tpu.enqueue_dma source(%dma_start3A_185 : memref<512xi32, #tpu.memory_space<hbm>>) target(%dma_start3A_184 : memref<512xi32, #tpu.memory_space<vmem>>) target_semaphore(%arg11 : memref<!tpu.dma_semaphore, #tpu.memory_space<semaphore_mem>>)
    %add3A_186 = arith.constant 376832 : i32
    %add3A_187 = arith.addi %add3A_186, %mul3A_2 : i32
    %dma_start3A_188 = arith.constant 11776 : i32
    %dma_start3A_189 = tpu.memref_slice %arg5[%dma_start3A_188] : memref<25600xi32, #tpu.memory_space<vmem>> -> memref<512xi32, #tpu.memory_space<vmem>>
    %dma_start3A_190 = tpu.memref_slice %arg2[%add3A_187] : memref<819200xi32, #tpu.memory_space<hbm>> -> memref<512xi32, #tpu.memory_space<hbm>>
    %dma_start3A_191 = arith.constant 11776 : i32
    %dma_start3A_192 = tpu.memref_slice %arg5[%dma_start3A_191] : memref<25600xi32, #tpu.memory_space<vmem>> -> memref<512xi32, #tpu.memory_space<vmem>>
    %dma_start3A_193 = tpu.memref_slice %arg2[%add3A_187] : memref<819200xi32, #tpu.memory_space<hbm>> -> memref<512xi32, #tpu.memory_space<hbm>>
    tpu.enqueue_dma source(%dma_start3A_193 : memref<512xi32, #tpu.memory_space<hbm>>) target(%dma_start3A_192 : memref<512xi32, #tpu.memory_space<vmem>>) target_semaphore(%arg11 : memref<!tpu.dma_semaphore, #tpu.memory_space<semaphore_mem>>)
    %add3A_194 = arith.constant 393216 : i32
    %add3A_195 = arith.addi %add3A_194, %mul3A_2 : i32
    %dma_start3A_196 = arith.constant 12288 : i32
    %dma_start3A_197 = tpu.memref_slice %arg5[%dma_start3A_196] : memref<25600xi32, #tpu.memory_space<vmem>> -> memref<512xi32, #tpu.memory_space<vmem>>
    %dma_start3A_198 = tpu.memref_slice %arg2[%add3A_195] : memref<819200xi32, #tpu.memory_space<hbm>> -> memref<512xi32, #tpu.memory_space<hbm>>
    %dma_start3A_199 = arith.constant 12288 : i32
    %dma_start3A_200 = tpu.memref_slice %arg5[%dma_start3A_199] : memref<25600xi32, #tpu.memory_space<vmem>> -> memref<512xi32, #tpu.memory_space<vmem>>
    %dma_start3A_201 = tpu.memref_slice %arg2[%add3A_195] : memref<819200xi32, #tpu.memory_space<hbm>> -> memref<512xi32, #tpu.memory_space<hbm>>
    tpu.enqueue_dma source(%dma_start3A_201 : memref<512xi32, #tpu.memory_space<hbm>>) target(%dma_start3A_200 : memref<512xi32, #tpu.memory_space<vmem>>) target_semaphore(%arg11 : memref<!tpu.dma_semaphore, #tpu.memory_space<semaphore_mem>>)
    %add3A_202 = arith.constant 409600 : i32
    %add3A_203 = arith.addi %add3A_202, %mul3A_2 : i32
    %dma_start3A_204 = arith.constant 12800 : i32
    %dma_start3A_205 = tpu.memref_slice %arg5[%dma_start3A_204] : memref<25600xi32, #tpu.memory_space<vmem>> -> memref<512xi32, #tpu.memory_space<vmem>>
    %dma_start3A_206 = tpu.memref_slice %arg2[%add3A_203] : memref<819200xi32, #tpu.memory_space<hbm>> -> memref<512xi32, #tpu.memory_space<hbm>>
    %dma_start3A_207 = arith.constant 12800 : i32
    %dma_start3A_208 = tpu.memref_slice %arg5[%dma_start3A_207] : memref<25600xi32, #tpu.memory_space<vmem>> -> memref<512xi32, #tpu.memory_space<vmem>>
    %dma_start3A_209 = tpu.memref_slice %arg2[%add3A_203] : memref<819200xi32, #tpu.memory_space<hbm>> -> memref<512xi32, #tpu.memory_space<hbm>>
    tpu.enqueue_dma source(%dma_start3A_209 : memref<512xi32, #tpu.memory_space<hbm>>) target(%dma_start3A_208 : memref<512xi32, #tpu.memory_space<vmem>>) target_semaphore(%arg11 : memref<!tpu.dma_semaphore, #tpu.memory_space<semaphore_mem>>)
    %add3A_210 = arith.constant 425984 : i32
    %add3A_211 = arith.addi %add3A_210, %mul3A_2 : i32
    %dma_start3A_212 = arith.constant 13312 : i32
    %dma_start3A_213 = tpu.memref_slice %arg5[%dma_start3A_212] : memref<25600xi32, #tpu.memory_space<vmem>> -> memref<512xi32, #tpu.memory_space<vmem>>
    %dma_start3A_214 = tpu.memref_slice %arg2[%add3A_211] : memref<819200xi32, #tpu.memory_space<hbm>> -> memref<512xi32, #tpu.memory_space<hbm>>
    %dma_start3A_215 = arith.constant 13312 : i32
    %dma_start3A_216 = tpu.memref_slice %arg5[%dma_start3A_215] : memref<25600xi32, #tpu.memory_space<vmem>> -> memref<512xi32, #tpu.memory_space<vmem>>
    %dma_start3A_217 = tpu.memref_slice %arg2[%add3A_211] : memref<819200xi32, #tpu.memory_space<hbm>> -> memref<512xi32, #tpu.memory_space<hbm>>
    tpu.enqueue_dma source(%dma_start3A_217 : memref<512xi32, #tpu.memory_space<hbm>>) target(%dma_start3A_216 : memref<512xi32, #tpu.memory_space<vmem>>) target_semaphore(%arg11 : memref<!tpu.dma_semaphore, #tpu.memory_space<semaphore_mem>>)
    %add3A_218 = arith.constant 442368 : i32
    %add3A_219 = arith.addi %add3A_218, %mul3A_2 : i32
    %dma_start3A_220 = arith.constant 13824 : i32
    %dma_start3A_221 = tpu.memref_slice %arg5[%dma_start3A_220] : memref<25600xi32, #tpu.memory_space<vmem>> -> memref<512xi32, #tpu.memory_space<vmem>>
    %dma_start3A_222 = tpu.memref_slice %arg2[%add3A_219] : memref<819200xi32, #tpu.memory_space<hbm>> -> memref<512xi32, #tpu.memory_space<hbm>>
    %dma_start3A_223 = arith.constant 13824 : i32
    %dma_start3A_224 = tpu.memref_slice %arg5[%dma_start3A_223] : memref<25600xi32, #tpu.memory_space<vmem>> -> memref<512xi32, #tpu.memory_space<vmem>>
    %dma_start3A_225 = tpu.memref_slice %arg2[%add3A_219] : memref<819200xi32, #tpu.memory_space<hbm>> -> memref<512xi32, #tpu.memory_space<hbm>>
    tpu.enqueue_dma source(%dma_start3A_225 : memref<512xi32, #tpu.memory_space<hbm>>) target(%dma_start3A_224 : memref<512xi32, #tpu.memory_space<vmem>>) target_semaphore(%arg11 : memref<!tpu.dma_semaphore, #tpu.memory_space<semaphore_mem>>)
    %add3A_226 = arith.constant 458752 : i32
    %add3A_227 = arith.addi %add3A_226, %mul3A_2 : i32
    %dma_start3A_228 = arith.constant 14336 : i32
    %dma_start3A_229 = tpu.memref_slice %arg5[%dma_start3A_228] : memref<25600xi32, #tpu.memory_space<vmem>> -> memref<512xi32, #tpu.memory_space<vmem>>
    %dma_start3A_230 = tpu.memref_slice %arg2[%add3A_227] : memref<819200xi32, #tpu.memory_space<hbm>> -> memref<512xi32, #tpu.memory_space<hbm>>
    %dma_start3A_231 = arith.constant 14336 : i32
    %dma_start3A_232 = tpu.memref_slice %arg5[%dma_start3A_231] : memref<25600xi32, #tpu.memory_space<vmem>> -> memref<512xi32, #tpu.memory_space<vmem>>
    %dma_start3A_233 = tpu.memref_slice %arg2[%add3A_227] : memref<819200xi32, #tpu.memory_space<hbm>> -> memref<512xi32, #tpu.memory_space<hbm>>
    tpu.enqueue_dma source(%dma_start3A_233 : memref<512xi32, #tpu.memory_space<hbm>>) target(%dma_start3A_232 : memref<512xi32, #tpu.memory_space<vmem>>) target_semaphore(%arg11 : memref<!tpu.dma_semaphore, #tpu.memory_space<semaphore_mem>>)
    %add3A_234 = arith.constant 475136 : i32
    %add3A_235 = arith.addi %add3A_234, %mul3A_2 : i32
    %dma_start3A_236 = arith.constant 14848 : i32
    %dma_start3A_237 = tpu.memref_slice %arg5[%dma_start3A_236] : memref<25600xi32, #tpu.memory_space<vmem>> -> memref<512xi32, #tpu.memory_space<vmem>>
    %dma_start3A_238 = tpu.memref_slice %arg2[%add3A_235] : memref<819200xi32, #tpu.memory_space<hbm>> -> memref<512xi32, #tpu.memory_space<hbm>>
    %dma_start3A_239 = arith.constant 14848 : i32
    %dma_start3A_240 = tpu.memref_slice %arg5[%dma_start3A_239] : memref<25600xi32, #tpu.memory_space<vmem>> -> memref<512xi32, #tpu.memory_space<vmem>>
    %dma_start3A_241 = tpu.memref_slice %arg2[%add3A_235] : memref<819200xi32, #tpu.memory_space<hbm>> -> memref<512xi32, #tpu.memory_space<hbm>>
    tpu.enqueue_dma source(%dma_start3A_241 : memref<512xi32, #tpu.memory_space<hbm>>) target(%dma_start3A_240 : memref<512xi32, #tpu.memory_space<vmem>>) target_semaphore(%arg11 : memref<!tpu.dma_semaphore, #tpu.memory_space<semaphore_mem>>)
    %add3A_242 = arith.constant 491520 : i32
    %add3A_243 = arith.addi %add3A_242, %mul3A_2 : i32
    %dma_start3A_244 = arith.constant 15360 : i32
    %dma_start3A_245 = tpu.memref_slice %arg5[%dma_start3A_244] : memref<25600xi32, #tpu.memory_space<vmem>> -> memref<512xi32, #tpu.memory_space<vmem>>
    %dma_start3A_246 = tpu.memref_slice %arg2[%add3A_243] : memref<819200xi32, #tpu.memory_space<hbm>> -> memref<512xi32, #tpu.memory_space<hbm>>
    %dma_start3A_247 = arith.constant 15360 : i32
    %dma_start3A_248 = tpu.memref_slice %arg5[%dma_start3A_247] : memref<25600xi32, #tpu.memory_space<vmem>> -> memref<512xi32, #tpu.memory_space<vmem>>
    %dma_start3A_249 = tpu.memref_slice %arg2[%add3A_243] : memref<819200xi32, #tpu.memory_space<hbm>> -> memref<512xi32, #tpu.memory_space<hbm>>
    tpu.enqueue_dma source(%dma_start3A_249 : memref<512xi32, #tpu.memory_space<hbm>>) target(%dma_start3A_248 : memref<512xi32, #tpu.memory_space<vmem>>) target_semaphore(%arg11 : memref<!tpu.dma_semaphore, #tpu.memory_space<semaphore_mem>>)
    %add3A_250 = arith.constant 507904 : i32
    %add3A_251 = arith.addi %add3A_250, %mul3A_2 : i32
    %dma_start3A_252 = arith.constant 15872 : i32
    %dma_start3A_253 = tpu.memref_slice %arg5[%dma_start3A_252] : memref<25600xi32, #tpu.memory_space<vmem>> -> memref<512xi32, #tpu.memory_space<vmem>>
    %dma_start3A_254 = tpu.memref_slice %arg2[%add3A_251] : memref<819200xi32, #tpu.memory_space<hbm>> -> memref<512xi32, #tpu.memory_space<hbm>>
    %dma_start3A_255 = arith.constant 15872 : i32
    %dma_start3A_256 = tpu.memref_slice %arg5[%dma_start3A_255] : memref<25600xi32, #tpu.memory_space<vmem>> -> memref<512xi32, #tpu.memory_space<vmem>>
    %dma_start3A_257 = tpu.memref_slice %arg2[%add3A_251] : memref<819200xi32, #tpu.memory_space<hbm>> -> memref<512xi32, #tpu.memory_space<hbm>>
    tpu.enqueue_dma source(%dma_start3A_257 : memref<512xi32, #tpu.memory_space<hbm>>) target(%dma_start3A_256 : memref<512xi32, #tpu.memory_space<vmem>>) target_semaphore(%arg11 : memref<!tpu.dma_semaphore, #tpu.memory_space<semaphore_mem>>)
    %add3A_258 = arith.constant 524288 : i32
    %add3A_259 = arith.addi %add3A_258, %mul3A_2 : i32
    %dma_start3A_260 = arith.constant 16384 : i32
    %dma_start3A_261 = tpu.memref_slice %arg5[%dma_start3A_260] : memref<25600xi32, #tpu.memory_space<vmem>> -> memref<512xi32, #tpu.memory_space<vmem>>
    %dma_start3A_262 = tpu.memref_slice %arg2[%add3A_259] : memref<819200xi32, #tpu.memory_space<hbm>> -> memref<512xi32, #tpu.memory_space<hbm>>
    %dma_start3A_263 = arith.constant 16384 : i32
    %dma_start3A_264 = tpu.memref_slice %arg5[%dma_start3A_263] : memref<25600xi32, #tpu.memory_space<vmem>> -> memref<512xi32, #tpu.memory_space<vmem>>
    %dma_start3A_265 = tpu.memref_slice %arg2[%add3A_259] : memref<819200xi32, #tpu.memory_space<hbm>> -> memref<512xi32, #tpu.memory_space<hbm>>
    tpu.enqueue_dma source(%dma_start3A_265 : memref<512xi32, #tpu.memory_space<hbm>>) target(%dma_start3A_264 : memref<512xi32, #tpu.memory_space<vmem>>) target_semaphore(%arg11 : memref<!tpu.dma_semaphore, #tpu.memory_space<semaphore_mem>>)
    %add3A_266 = arith.constant 540672 : i32
    %add3A_267 = arith.addi %add3A_266, %mul3A_2 : i32
    %dma_start3A_268 = arith.constant 16896 : i32
    %dma_start3A_269 = tpu.memref_slice %arg5[%dma_start3A_268] : memref<25600xi32, #tpu.memory_space<vmem>> -> memref<512xi32, #tpu.memory_space<vmem>>
    %dma_start3A_270 = tpu.memref_slice %arg2[%add3A_267] : memref<819200xi32, #tpu.memory_space<hbm>> -> memref<512xi32, #tpu.memory_space<hbm>>
    %dma_start3A_271 = arith.constant 16896 : i32
    %dma_start3A_272 = tpu.memref_slice %arg5[%dma_start3A_271] : memref<25600xi32, #tpu.memory_space<vmem>> -> memref<512xi32, #tpu.memory_space<vmem>>
    %dma_start3A_273 = tpu.memref_slice %arg2[%add3A_267] : memref<819200xi32, #tpu.memory_space<hbm>> -> memref<512xi32, #tpu.memory_space<hbm>>
    tpu.enqueue_dma source(%dma_start3A_273 : memref<512xi32, #tpu.memory_space<hbm>>) target(%dma_start3A_272 : memref<512xi32, #tpu.memory_space<vmem>>) target_semaphore(%arg11 : memref<!tpu.dma_semaphore, #tpu.memory_space<semaphore_mem>>)
    %add3A_274 = arith.constant 557056 : i32
    %add3A_275 = arith.addi %add3A_274, %mul3A_2 : i32
    %dma_start3A_276 = arith.constant 17408 : i32
    %dma_start3A_277 = tpu.memref_slice %arg5[%dma_start3A_276] : memref<25600xi32, #tpu.memory_space<vmem>> -> memref<512xi32, #tpu.memory_space<vmem>>
    %dma_start3A_278 = tpu.memref_slice %arg2[%add3A_275] : memref<819200xi32, #tpu.memory_space<hbm>> -> memref<512xi32, #tpu.memory_space<hbm>>
    %dma_start3A_279 = arith.constant 17408 : i32
    %dma_start3A_280 = tpu.memref_slice %arg5[%dma_start3A_279] : memref<25600xi32, #tpu.memory_space<vmem>> -> memref<512xi32, #tpu.memory_space<vmem>>
    %dma_start3A_281 = tpu.memref_slice %arg2[%add3A_275] : memref<819200xi32, #tpu.memory_space<hbm>> -> memref<512xi32, #tpu.memory_space<hbm>>
    tpu.enqueue_dma source(%dma_start3A_281 : memref<512xi32, #tpu.memory_space<hbm>>) target(%dma_start3A_280 : memref<512xi32, #tpu.memory_space<vmem>>) target_semaphore(%arg11 : memref<!tpu.dma_semaphore, #tpu.memory_space<semaphore_mem>>)
    %add3A_282 = arith.constant 573440 : i32
    %add3A_283 = arith.addi %add3A_282, %mul3A_2 : i32
    %dma_start3A_284 = arith.constant 17920 : i32
    %dma_start3A_285 = tpu.memref_slice %arg5[%dma_start3A_284] : memref<25600xi32, #tpu.memory_space<vmem>> -> memref<512xi32, #tpu.memory_space<vmem>>
    %dma_start3A_286 = tpu.memref_slice %arg2[%add3A_283] : memref<819200xi32, #tpu.memory_space<hbm>> -> memref<512xi32, #tpu.memory_space<hbm>>
    %dma_start3A_287 = arith.constant 17920 : i32
    %dma_start3A_288 = tpu.memref_slice %arg5[%dma_start3A_287] : memref<25600xi32, #tpu.memory_space<vmem>> -> memref<512xi32, #tpu.memory_space<vmem>>
    %dma_start3A_289 = tpu.memref_slice %arg2[%add3A_283] : memref<819200xi32, #tpu.memory_space<hbm>> -> memref<512xi32, #tpu.memory_space<hbm>>
    tpu.enqueue_dma source(%dma_start3A_289 : memref<512xi32, #tpu.memory_space<hbm>>) target(%dma_start3A_288 : memref<512xi32, #tpu.memory_space<vmem>>) target_semaphore(%arg11 : memref<!tpu.dma_semaphore, #tpu.memory_space<semaphore_mem>>)
    %add3A_290 = arith.constant 589824 : i32
    %add3A_291 = arith.addi %add3A_290, %mul3A_2 : i32
    %dma_start3A_292 = arith.constant 18432 : i32
    %dma_start3A_293 = tpu.memref_slice %arg5[%dma_start3A_292] : memref<25600xi32, #tpu.memory_space<vmem>> -> memref<512xi32, #tpu.memory_space<vmem>>
    %dma_start3A_294 = tpu.memref_slice %arg2[%add3A_291] : memref<819200xi32, #tpu.memory_space<hbm>> -> memref<512xi32, #tpu.memory_space<hbm>>
    %dma_start3A_295 = arith.constant 18432 : i32
    %dma_start3A_296 = tpu.memref_slice %arg5[%dma_start3A_295] : memref<25600xi32, #tpu.memory_space<vmem>> -> memref<512xi32, #tpu.memory_space<vmem>>
    %dma_start3A_297 = tpu.memref_slice %arg2[%add3A_291] : memref<819200xi32, #tpu.memory_space<hbm>> -> memref<512xi32, #tpu.memory_space<hbm>>
    tpu.enqueue_dma source(%dma_start3A_297 : memref<512xi32, #tpu.memory_space<hbm>>) target(%dma_start3A_296 : memref<512xi32, #tpu.memory_space<vmem>>) target_semaphore(%arg11 : memref<!tpu.dma_semaphore, #tpu.memory_space<semaphore_mem>>)
    %add3A_298 = arith.constant 606208 : i32
    %add3A_299 = arith.addi %add3A_298, %mul3A_2 : i32
    %dma_start3A_300 = arith.constant 18944 : i32
    %dma_start3A_301 = tpu.memref_slice %arg5[%dma_start3A_300] : memref<25600xi32, #tpu.memory_space<vmem>> -> memref<512xi32, #tpu.memory_space<vmem>>
    %dma_start3A_302 = tpu.memref_slice %arg2[%add3A_299] : memref<819200xi32, #tpu.memory_space<hbm>> -> memref<512xi32, #tpu.memory_space<hbm>>
    %dma_start3A_303 = arith.constant 18944 : i32
    %dma_start3A_304 = tpu.memref_slice %arg5[%dma_start3A_303] : memref<25600xi32, #tpu.memory_space<vmem>> -> memref<512xi32, #tpu.memory_space<vmem>>
    %dma_start3A_305 = tpu.memref_slice %arg2[%add3A_299] : memref<819200xi32, #tpu.memory_space<hbm>> -> memref<512xi32, #tpu.memory_space<hbm>>
    tpu.enqueue_dma source(%dma_start3A_305 : memref<512xi32, #tpu.memory_space<hbm>>) target(%dma_start3A_304 : memref<512xi32, #tpu.memory_space<vmem>>) target_semaphore(%arg11 : memref<!tpu.dma_semaphore, #tpu.memory_space<semaphore_mem>>)
    %add3A_306 = arith.constant 622592 : i32
    %add3A_307 = arith.addi %add3A_306, %mul3A_2 : i32
    %dma_start3A_308 = arith.constant 19456 : i32
    %dma_start3A_309 = tpu.memref_slice %arg5[%dma_start3A_308] : memref<25600xi32, #tpu.memory_space<vmem>> -> memref<512xi32, #tpu.memory_space<vmem>>
    %dma_start3A_310 = tpu.memref_slice %arg2[%add3A_307] : memref<819200xi32, #tpu.memory_space<hbm>> -> memref<512xi32, #tpu.memory_space<hbm>>
    %dma_start3A_311 = arith.constant 19456 : i32
    %dma_start3A_312 = tpu.memref_slice %arg5[%dma_start3A_311] : memref<25600xi32, #tpu.memory_space<vmem>> -> memref<512xi32, #tpu.memory_space<vmem>>
    %dma_start3A_313 = tpu.memref_slice %arg2[%add3A_307] : memref<819200xi32, #tpu.memory_space<hbm>> -> memref<512xi32, #tpu.memory_space<hbm>>
    tpu.enqueue_dma source(%dma_start3A_313 : memref<512xi32, #tpu.memory_space<hbm>>) target(%dma_start3A_312 : memref<512xi32, #tpu.memory_space<vmem>>) target_semaphore(%arg11 : memref<!tpu.dma_semaphore, #tpu.memory_space<semaphore_mem>>)
    %add3A_314 = arith.constant 638976 : i32
    %add3A_315 = arith.addi %add3A_314, %mul3A_2 : i32
    %dma_start3A_316 = arith.constant 19968 : i32
    %dma_start3A_317 = tpu.memref_slice %arg5[%dma_start3A_316] : memref<25600xi32, #tpu.memory_space<vmem>> -> memref<512xi32, #tpu.memory_space<vmem>>
    %dma_start3A_318 = tpu.memref_slice %arg2[%add3A_315] : memref<819200xi32, #tpu.memory_space<hbm>> -> memref<512xi32, #tpu.memory_space<hbm>>
    %dma_start3A_319 = arith.constant 19968 : i32
    %dma_start3A_320 = tpu.memref_slice %arg5[%dma_start3A_319] : memref<25600xi32, #tpu.memory_space<vmem>> -> memref<512xi32, #tpu.memory_space<vmem>>
    %dma_start3A_321 = tpu.memref_slice %arg2[%add3A_315] : memref<819200xi32, #tpu.memory_space<hbm>> -> memref<512xi32, #tpu.memory_space<hbm>>
    tpu.enqueue_dma source(%dma_start3A_321 : memref<512xi32, #tpu.memory_space<hbm>>) target(%dma_start3A_320 : memref<512xi32, #tpu.memory_space<vmem>>) target_semaphore(%arg11 : memref<!tpu.dma_semaphore, #tpu.memory_space<semaphore_mem>>)
    %add3A_322 = arith.constant 655360 : i32
    %add3A_323 = arith.addi %add3A_322, %mul3A_2 : i32
    %dma_start3A_324 = arith.constant 20480 : i32
    %dma_start3A_325 = tpu.memref_slice %arg5[%dma_start3A_324] : memref<25600xi32, #tpu.memory_space<vmem>> -> memref<512xi32, #tpu.memory_space<vmem>>
    %dma_start3A_326 = tpu.memref_slice %arg2[%add3A_323] : memref<819200xi32, #tpu.memory_space<hbm>> -> memref<512xi32, #tpu.memory_space<hbm>>
    %dma_start3A_327 = arith.constant 20480 : i32
    %dma_start3A_328 = tpu.memref_slice %arg5[%dma_start3A_327] : memref<25600xi32, #tpu.memory_space<vmem>> -> memref<512xi32, #tpu.memory_space<vmem>>
    %dma_start3A_329 = tpu.memref_slice %arg2[%add3A_323] : memref<819200xi32, #tpu.memory_space<hbm>> -> memref<512xi32, #tpu.memory_space<hbm>>
    tpu.enqueue_dma source(%dma_start3A_329 : memref<512xi32, #tpu.memory_space<hbm>>) target(%dma_start3A_328 : memref<512xi32, #tpu.memory_space<vmem>>) target_semaphore(%arg11 : memref<!tpu.dma_semaphore, #tpu.memory_space<semaphore_mem>>)
    %add3A_330 = arith.constant 671744 : i32
    %add3A_331 = arith.addi %add3A_330, %mul3A_2 : i32
    %dma_start3A_332 = arith.constant 20992 : i32
    %dma_start3A_333 = tpu.memref_slice %arg5[%dma_start3A_332] : memref<25600xi32, #tpu.memory_space<vmem>> -> memref<512xi32, #tpu.memory_space<vmem>>
    %dma_start3A_334 = tpu.memref_slice %arg2[%add3A_331] : memref<819200xi32, #tpu.memory_space<hbm>> -> memref<512xi32, #tpu.memory_space<hbm>>
    %dma_start3A_335 = arith.constant 20992 : i32
    %dma_start3A_336 = tpu.memref_slice %arg5[%dma_start3A_335] : memref<25600xi32, #tpu.memory_space<vmem>> -> memref<512xi32, #tpu.memory_space<vmem>>
    %dma_start3A_337 = tpu.memref_slice %arg2[%add3A_331] : memref<819200xi32, #tpu.memory_space<hbm>> -> memref<512xi32, #tpu.memory_space<hbm>>
    tpu.enqueue_dma source(%dma_start3A_337 : memref<512xi32, #tpu.memory_space<hbm>>) target(%dma_start3A_336 : memref<512xi32, #tpu.memory_space<vmem>>) target_semaphore(%arg11 : memref<!tpu.dma_semaphore, #tpu.memory_space<semaphore_mem>>)
    %add3A_338 = arith.constant 688128 : i32
    %add3A_339 = arith.addi %add3A_338, %mul3A_2 : i32
    %dma_start3A_340 = arith.constant 21504 : i32
    %dma_start3A_341 = tpu.memref_slice %arg5[%dma_start3A_340] : memref<25600xi32, #tpu.memory_space<vmem>> -> memref<512xi32, #tpu.memory_space<vmem>>
    %dma_start3A_342 = tpu.memref_slice %arg2[%add3A_339] : memref<819200xi32, #tpu.memory_space<hbm>> -> memref<512xi32, #tpu.memory_space<hbm>>
    %dma_start3A_343 = arith.constant 21504 : i32
    %dma_start3A_344 = tpu.memref_slice %arg5[%dma_start3A_343] : memref<25600xi32, #tpu.memory_space<vmem>> -> memref<512xi32, #tpu.memory_space<vmem>>
    %dma_start3A_345 = tpu.memref_slice %arg2[%add3A_339] : memref<819200xi32, #tpu.memory_space<hbm>> -> memref<512xi32, #tpu.memory_space<hbm>>
    tpu.enqueue_dma source(%dma_start3A_345 : memref<512xi32, #tpu.memory_space<hbm>>) target(%dma_start3A_344 : memref<512xi32, #tpu.memory_space<vmem>>) target_semaphore(%arg11 : memref<!tpu.dma_semaphore, #tpu.memory_space<semaphore_mem>>)
    %add3A_346 = arith.constant 704512 : i32
    %add3A_347 = arith.addi %add3A_346, %mul3A_2 : i32
    %dma_start3A_348 = arith.constant 22016 : i32
    %dma_start3A_349 = tpu.memref_slice %arg5[%dma_start3A_348] : memref<25600xi32, #tpu.memory_space<vmem>> -> memref<512xi32, #tpu.memory_space<vmem>>
    %dma_start3A_350 = tpu.memref_slice %arg2[%add3A_347] : memref<819200xi32, #tpu.memory_space<hbm>> -> memref<512xi32, #tpu.memory_space<hbm>>
    %dma_start3A_351 = arith.constant 22016 : i32
    %dma_start3A_352 = tpu.memref_slice %arg5[%dma_start3A_351] : memref<25600xi32, #tpu.memory_space<vmem>> -> memref<512xi32, #tpu.memory_space<vmem>>
    %dma_start3A_353 = tpu.memref_slice %arg2[%add3A_347] : memref<819200xi32, #tpu.memory_space<hbm>> -> memref<512xi32, #tpu.memory_space<hbm>>
    tpu.enqueue_dma source(%dma_start3A_353 : memref<512xi32, #tpu.memory_space<hbm>>) target(%dma_start3A_352 : memref<512xi32, #tpu.memory_space<vmem>>) target_semaphore(%arg11 : memref<!tpu.dma_semaphore, #tpu.memory_space<semaphore_mem>>)
    %add3A_354 = arith.constant 720896 : i32
    %add3A_355 = arith.addi %add3A_354, %mul3A_2 : i32
    %dma_start3A_356 = arith.constant 22528 : i32
    %dma_start3A_357 = tpu.memref_slice %arg5[%dma_start3A_356] : memref<25600xi32, #tpu.memory_space<vmem>> -> memref<512xi32, #tpu.memory_space<vmem>>
    %dma_start3A_358 = tpu.memref_slice %arg2[%add3A_355] : memref<819200xi32, #tpu.memory_space<hbm>> -> memref<512xi32, #tpu.memory_space<hbm>>
    %dma_start3A_359 = arith.constant 22528 : i32
    %dma_start3A_360 = tpu.memref_slice %arg5[%dma_start3A_359] : memref<25600xi32, #tpu.memory_space<vmem>> -> memref<512xi32, #tpu.memory_space<vmem>>
    %dma_start3A_361 = tpu.memref_slice %arg2[%add3A_355] : memref<819200xi32, #tpu.memory_space<hbm>> -> memref<512xi32, #tpu.memory_space<hbm>>
    tpu.enqueue_dma source(%dma_start3A_361 : memref<512xi32, #tpu.memory_space<hbm>>) target(%dma_start3A_360 : memref<512xi32, #tpu.memory_space<vmem>>) target_semaphore(%arg11 : memref<!tpu.dma_semaphore, #tpu.memory_space<semaphore_mem>>)
    %add3A_362 = arith.constant 737280 : i32
    %add3A_363 = arith.addi %add3A_362, %mul3A_2 : i32
    %dma_start3A_364 = arith.constant 23040 : i32
    %dma_start3A_365 = tpu.memref_slice %arg5[%dma_start3A_364] : memref<25600xi32, #tpu.memory_space<vmem>> -> memref<512xi32, #tpu.memory_space<vmem>>
    %dma_start3A_366 = tpu.memref_slice %arg2[%add3A_363] : memref<819200xi32, #tpu.memory_space<hbm>> -> memref<512xi32, #tpu.memory_space<hbm>>
    %dma_start3A_367 = arith.constant 23040 : i32
    %dma_start3A_368 = tpu.memref_slice %arg5[%dma_start3A_367] : memref<25600xi32, #tpu.memory_space<vmem>> -> memref<512xi32, #tpu.memory_space<vmem>>
    %dma_start3A_369 = tpu.memref_slice %arg2[%add3A_363] : memref<819200xi32, #tpu.memory_space<hbm>> -> memref<512xi32, #tpu.memory_space<hbm>>
    tpu.enqueue_dma source(%dma_start3A_369 : memref<512xi32, #tpu.memory_space<hbm>>) target(%dma_start3A_368 : memref<512xi32, #tpu.memory_space<vmem>>) target_semaphore(%arg11 : memref<!tpu.dma_semaphore, #tpu.memory_space<semaphore_mem>>)
    %add3A_370 = arith.constant 753664 : i32
    %add3A_371 = arith.addi %add3A_370, %mul3A_2 : i32
    %dma_start3A_372 = arith.constant 23552 : i32
    %dma_start3A_373 = tpu.memref_slice %arg5[%dma_start3A_372] : memref<25600xi32, #tpu.memory_space<vmem>> -> memref<512xi32, #tpu.memory_space<vmem>>
    %dma_start3A_374 = tpu.memref_slice %arg2[%add3A_371] : memref<819200xi32, #tpu.memory_space<hbm>> -> memref<512xi32, #tpu.memory_space<hbm>>
    %dma_start3A_375 = arith.constant 23552 : i32
    %dma_start3A_376 = tpu.memref_slice %arg5[%dma_start3A_375] : memref<25600xi32, #tpu.memory_space<vmem>> -> memref<512xi32, #tpu.memory_space<vmem>>
    %dma_start3A_377 = tpu.memref_slice %arg2[%add3A_371] : memref<819200xi32, #tpu.memory_space<hbm>> -> memref<512xi32, #tpu.memory_space<hbm>>
    tpu.enqueue_dma source(%dma_start3A_377 : memref<512xi32, #tpu.memory_space<hbm>>) target(%dma_start3A_376 : memref<512xi32, #tpu.memory_space<vmem>>) target_semaphore(%arg11 : memref<!tpu.dma_semaphore, #tpu.memory_space<semaphore_mem>>)
    %add3A_378 = arith.constant 770048 : i32
    %add3A_379 = arith.addi %add3A_378, %mul3A_2 : i32
    %dma_start3A_380 = arith.constant 24064 : i32
    %dma_start3A_381 = tpu.memref_slice %arg5[%dma_start3A_380] : memref<25600xi32, #tpu.memory_space<vmem>> -> memref<512xi32, #tpu.memory_space<vmem>>
    %dma_start3A_382 = tpu.memref_slice %arg2[%add3A_379] : memref<819200xi32, #tpu.memory_space<hbm>> -> memref<512xi32, #tpu.memory_space<hbm>>
    %dma_start3A_383 = arith.constant 24064 : i32
    %dma_start3A_384 = tpu.memref_slice %arg5[%dma_start3A_383] : memref<25600xi32, #tpu.memory_space<vmem>> -> memref<512xi32, #tpu.memory_space<vmem>>
    %dma_start3A_385 = tpu.memref_slice %arg2[%add3A_379] : memref<819200xi32, #tpu.memory_space<hbm>> -> memref<512xi32, #tpu.memory_space<hbm>>
    tpu.enqueue_dma source(%dma_start3A_385 : memref<512xi32, #tpu.memory_space<hbm>>) target(%dma_start3A_384 : memref<512xi32, #tpu.memory_space<vmem>>) target_semaphore(%arg11 : memref<!tpu.dma_semaphore, #tpu.memory_space<semaphore_mem>>)
    %add3A_386 = arith.constant 786432 : i32
    %add3A_387 = arith.addi %add3A_386, %mul3A_2 : i32
    %dma_start3A_388 = arith.constant 24576 : i32
    %dma_start3A_389 = tpu.memref_slice %arg5[%dma_start3A_388] : memref<25600xi32, #tpu.memory_space<vmem>> -> memref<512xi32, #tpu.memory_space<vmem>>
    %dma_start3A_390 = tpu.memref_slice %arg2[%add3A_387] : memref<819200xi32, #tpu.memory_space<hbm>> -> memref<512xi32, #tpu.memory_space<hbm>>
    %dma_start3A_391 = arith.constant 24576 : i32
    %dma_start3A_392 = tpu.memref_slice %arg5[%dma_start3A_391] : memref<25600xi32, #tpu.memory_space<vmem>> -> memref<512xi32, #tpu.memory_space<vmem>>
    %dma_start3A_393 = tpu.memref_slice %arg2[%add3A_387] : memref<819200xi32, #tpu.memory_space<hbm>> -> memref<512xi32, #tpu.memory_space<hbm>>
    tpu.enqueue_dma source(%dma_start3A_393 : memref<512xi32, #tpu.memory_space<hbm>>) target(%dma_start3A_392 : memref<512xi32, #tpu.memory_space<vmem>>) target_semaphore(%arg11 : memref<!tpu.dma_semaphore, #tpu.memory_space<semaphore_mem>>)
    %add3A_394 = arith.constant 802816 : i32
    %add3A_395 = arith.addi %add3A_394, %mul3A_2 : i32
    %dma_start3A_396 = arith.constant 25088 : i32
    %dma_start3A_397 = tpu.memref_slice %arg5[%dma_start3A_396] : memref<25600xi32, #tpu.memory_space<vmem>> -> memref<512xi32, #tpu.memory_space<vmem>>
    %dma_start3A_398 = tpu.memref_slice %arg2[%add3A_395] : memref<819200xi32, #tpu.memory_space<hbm>> -> memref<512xi32, #tpu.memory_space<hbm>>
    %dma_start3A_399 = arith.constant 25088 : i32
    %dma_start3A_400 = tpu.memref_slice %arg5[%dma_start3A_399] : memref<25600xi32, #tpu.memory_space<vmem>> -> memref<512xi32, #tpu.memory_space<vmem>>
    %dma_start3A_401 = tpu.memref_slice %arg2[%add3A_395] : memref<819200xi32, #tpu.memory_space<hbm>> -> memref<512xi32, #tpu.memory_space<hbm>>
    tpu.enqueue_dma source(%dma_start3A_401 : memref<512xi32, #tpu.memory_space<hbm>>) target(%dma_start3A_400 : memref<512xi32, #tpu.memory_space<vmem>>) target_semaphore(%arg11 : memref<!tpu.dma_semaphore, #tpu.memory_space<semaphore_mem>>)
    %dma_wait3A = arith.constant 0 : i32
    %dma_wait3A_402 = tpu.memref_slice %arg2[%dma_wait3A] : memref<819200xi32, #tpu.memory_space<hbm>> -> memref<25600xi32, #tpu.memory_space<hbm>>
    %dma_wait3A_403 = arith.constant 0 : i32
    %dma_wait3A_404 = tpu.memref_slice %arg2[%dma_wait3A_403] : memref<819200xi32, #tpu.memory_space<hbm>> -> memref<25600xi32, #tpu.memory_space<hbm>>
    tpu.wait_dma2 semaphore(%arg11 : memref<!tpu.dma_semaphore, #tpu.memory_space<semaphore_mem>>) src(%dma_wait3A_404 : memref<25600xi32, #tpu.memory_space<hbm>>) dst(%arg5 : memref<25600xi32, #tpu.memory_space<vmem>>)
    %dma_start3A_405 = arith.constant 0 : i32
    %dma_start3A_406 = tpu.memref_slice %arg5[%dma_start3A_405] : memref<25600xi32, #tpu.memory_space<vmem>> -> memref<128xi32, #tpu.memory_space<vmem>>
    %dma_start3A_407 = arith.constant 0 : i32
    %dma_start3A_408 = arith.constant 0 : i32
    %dma_start3A_409 = tpu.memref_slice %arg3[%dma_start3A_407, %dma_start3A_408] : memref<100000x128xf32, #tpu.memory_space<hbm>> -> memref<100000x128xf32, #tpu.memory_space<hbm>>
    tpu.enqueue_indirect_dma source(%dma_start3A_409 : memref<100000x128xf32, #tpu.memory_space<hbm>>) target(%arg6 : memref<128x128xf32, #tpu.memory_space<vmem>>) offsets(%dma_start3A_406 : memref<128xi32, #tpu.memory_space<vmem>>) semaphore(%arg12 : memref<!tpu.dma_semaphore, #tpu.memory_space<semaphore_mem>>)
    %dma_start3A_410 = arith.constant 128 : i32
    %dma_start3A_411 = tpu.memref_slice %arg5[%dma_start3A_410] : memref<25600xi32, #tpu.memory_space<vmem>> -> memref<128xi32, #tpu.memory_space<vmem>>
    %dma_start3A_412 = arith.constant 0 : i32
    %dma_start3A_413 = arith.constant 0 : i32
    %dma_start3A_414 = tpu.memref_slice %arg3[%dma_start3A_412, %dma_start3A_413] : memref<100000x128xf32, #tpu.memory_space<hbm>> -> memref<100000x128xf32, #tpu.memory_space<hbm>>
    tpu.enqueue_indirect_dma source(%dma_start3A_414 : memref<100000x128xf32, #tpu.memory_space<hbm>>) target(%arg7 : memref<128x128xf32, #tpu.memory_space<vmem>>) offsets(%dma_start3A_411 : memref<128xi32, #tpu.memory_space<vmem>>) semaphore(%arg13 : memref<!tpu.dma_semaphore, #tpu.memory_space<semaphore_mem>>)
    %dma_start3A_415 = arith.constant 256 : i32
    %dma_start3A_416 = tpu.memref_slice %arg5[%dma_start3A_415] : memref<25600xi32, #tpu.memory_space<vmem>> -> memref<128xi32, #tpu.memory_space<vmem>>
    %dma_start3A_417 = arith.constant 0 : i32
    %dma_start3A_418 = arith.constant 0 : i32
    %dma_start3A_419 = tpu.memref_slice %arg3[%dma_start3A_417, %dma_start3A_418] : memref<100000x128xf32, #tpu.memory_space<hbm>> -> memref<100000x128xf32, #tpu.memory_space<hbm>>
    tpu.enqueue_indirect_dma source(%dma_start3A_419 : memref<100000x128xf32, #tpu.memory_space<hbm>>) target(%arg8 : memref<128x128xf32, #tpu.memory_space<vmem>>) offsets(%dma_start3A_416 : memref<128xi32, #tpu.memory_space<vmem>>) semaphore(%arg14 : memref<!tpu.dma_semaphore, #tpu.memory_space<semaphore_mem>>)
    %scan3A = arith.constant 0 : i32
    %scan3A_420 = arith.constant 0 : i32
    %scan3A_421 = arith.constant 40 : i32
    %scan3A_422 = arith.addi %scan3A_420, %scan3A_421 : i32
    %scan3A_423 = arith.constant 1 : i32
    scf.for %scan3A_460 = %scan3A_420 to %scan3A_422 step %scan3A_423  : i32 {
      %mul3A_461 = arith.constant 5 : i32
      %mul3A_462 = arith.muli %scan3A_460, %mul3A_461 : i32
      %add3A_463 = arith.constant 0 : i32
      %add3A_464 = arith.addi %mul3A_462, %add3A_463 : i32
      %add3A_465 = arith.constant 3 : i32
      %add3A_466 = arith.addi %add3A_464, %add3A_465 : i32
      %ge3A = arith.constant 5 : i32
      %ge3A_467 = arith.cmpi sge, %add3A_466, %ge3A : i32
      %lt3A = arith.constant 200 : i32
      %lt3A_468 = arith.cmpi slt, %add3A_466, %lt3A : i32
      %and3A = arith.andi %ge3A_467, %lt3A_468 : i1
      %convert_element_type3A = arith.extui %and3A : i1 to i32
      %cond3A = arith.constant 0 : i32
      %cond3A_469 = arith.cmpi ne, %convert_element_type3A, %cond3A : i32
      scf.if %cond3A_469 {
        %dma_wait3A_749 = arith.constant 0 : i32
        %dma_wait3A_750 = arith.constant 0 : i32
        %dma_wait3A_751 = tpu.memref_slice %arg4[%dma_wait3A_749, %mul3A_2, %dma_wait3A_750] : memref<50x16384x128xf32, #tpu.memory_space<hbm>> -> memref<1x128x128xf32, #tpu.memory_space<hbm>>
        %dma_wait3A_752 = tpu.memref_squeeze %dma_wait3A_751 : memref<1x128x128xf32, #tpu.memory_space<hbm>> -> memref<128x128xf32, #tpu.memory_space<hbm>>
        %dma_wait3A_753 = arith.constant 0 : i32
        %dma_wait3A_754 = tpu.memref_slice %arg4[%dma_wait3A_749, %mul3A_2, %dma_wait3A_753] : memref<50x16384x128xf32, #tpu.memory_space<hbm>> -> memref<1x128x128xf32, #tpu.memory_space<hbm>>
        %dma_wait3A_755 = tpu.memref_squeeze %dma_wait3A_754 : memref<1x128x128xf32, #tpu.memory_space<hbm>> -> memref<128x128xf32, #tpu.memory_space<hbm>>
        tpu.wait_dma2 semaphore(%arg20 : memref<!tpu.dma_semaphore, #tpu.memory_space<semaphore_mem>>) src(%arg9 : memref<128x128xf32, #tpu.memory_space<vmem>>) dst(%dma_wait3A_755 : memref<128x128xf32, #tpu.memory_space<hbm>>)
      } else {
      }
      %lt3A_470 = arith.constant 200 : i32
      %lt3A_471 = arith.cmpi slt, %add3A_466, %lt3A_470 : i32
      %convert_element_type3A_472 = arith.extui %lt3A_471 : i1 to i32
      %cond3A_473 = arith.constant 0 : i32
      %cond3A_474 = arith.cmpi ne, %convert_element_type3A_472, %cond3A_473 : i32
      scf.if %cond3A_474 {
        %mul3A_749 = arith.constant 128 : i32
        %mul3A_750 = arith.muli %add3A_466, %mul3A_749 : i32
        %dma_start3A_751 = tpu.memref_slice %arg5[%mul3A_750] : memref<25600xi32, #tpu.memory_space<vmem>> -> memref<128xi32, #tpu.memory_space<vmem>>
        %dma_start3A_752 = arith.constant 0 : i32
        %dma_start3A_753 = arith.constant 0 : i32
        %dma_start3A_754 = tpu.memref_slice %arg3[%dma_start3A_752, %dma_start3A_753] : memref<100000x128xf32, #tpu.memory_space<hbm>> -> memref<100000x128xf32, #tpu.memory_space<hbm>>
        tpu.enqueue_indirect_dma source(%dma_start3A_754 : memref<100000x128xf32, #tpu.memory_space<hbm>>) target(%arg9 : memref<128x128xf32, #tpu.memory_space<vmem>>) offsets(%dma_start3A_751 : memref<128xi32, #tpu.memory_space<vmem>>) semaphore(%arg15 : memref<!tpu.dma_semaphore, #tpu.memory_space<semaphore_mem>>)
      } else {
      }
      %dma_wait3A_475 = arith.constant 0 : i32
      %dma_wait3A_476 = tpu.memref_slice %arg5[%dma_wait3A_475] : memref<25600xi32, #tpu.memory_space<vmem>> -> memref<128xi32, #tpu.memory_space<vmem>>
      %dma_wait3A_477 = arith.constant 0 : i32
      %dma_wait3A_478 = arith.constant 0 : i32
      %dma_wait3A_479 = tpu.memref_slice %arg3[%dma_wait3A_477, %dma_wait3A_478] : memref<100000x128xf32, #tpu.memory_space<hbm>> -> memref<100000x128xf32, #tpu.memory_space<hbm>>
      tpu.wait_indirect_dma semaphore(%arg12 : memref<!tpu.dma_semaphore, #tpu.memory_space<semaphore_mem>>) src(%dma_wait3A_479 : memref<100000x128xf32, #tpu.memory_space<hbm>>) dst(%arg6 : memref<128x128xf32, #tpu.memory_space<vmem>>)
      %jit3A = arith.constant 4 : i32
      %div3A = arith.divsi %add3A_464, %jit3A : i32
      %sign3A = arith.constant 0 : i32
      %sign3A_480 = arith.cmpi sgt, %add3A_464, %sign3A : i32
      %sign3A_481 = arith.extui %sign3A_480 : i1 to i32
      %sign3A_482 = arith.constant 0 : i32
      %sign3A_483 = arith.cmpi slt, %add3A_464, %sign3A_482 : i32
      %sign3A_484 = arith.extui %sign3A_483 : i1 to i32
      %sign3A_485 = arith.subi %sign3A_481, %sign3A_484 : i32
      %sign3A_486 = arith.constant 0 : i32
      %sign3A_487 = arith.cmpi sgt, %jit3A, %sign3A_486 : i32
      %sign3A_488 = arith.extui %sign3A_487 : i1 to i32
      %sign3A_489 = arith.constant 0 : i32
      %sign3A_490 = arith.cmpi slt, %jit3A, %sign3A_489 : i32
      %sign3A_491 = arith.extui %sign3A_490 : i1 to i32
      %sign3A_492 = arith.subi %sign3A_488, %sign3A_491 : i32
      %ne3A = arith.cmpi ne, %sign3A_485, %sign3A_492 : i32
      %rem3A = arith.remsi %add3A_464, %jit3A : i32
      %ne3A_493 = arith.constant 0 : i32
      %ne3A_494 = arith.cmpi ne, %rem3A, %ne3A_493 : i32
      %and3A_495 = arith.andi %ne3A, %ne3A_494 : i1
      %sub3A = arith.constant 1 : i32
      %sub3A_496 = arith.subi %div3A, %sub3A : i32
      %select_n3A = arith.select %and3A_495, %sub3A_496, %div3A : i32
      %mul3A_497 = arith.constant 4 : i32
      %mul3A_498 = arith.muli %select_n3A, %mul3A_497 : i32
      %sub3A_499 = arith.subi %add3A_464, %mul3A_498 : i32
      %mul3A_500 = arith.constant 128 : i32
      %mul3A_501 = arith.muli %sub3A_499, %mul3A_500 : i32
      %add3A_502 = arith.addi %mul3A_2, %mul3A_501 : i32
      %dma_start3A_503 = arith.constant 0 : i32
      %dma_start3A_504 = tpu.memref_slice %arg4[%select_n3A, %add3A_502, %dma_start3A_503] : memref<50x16384x128xf32, #tpu.memory_space<hbm>> -> memref<1x128x128xf32, #tpu.memory_space<hbm>>
      %dma_start3A_505 = tpu.memref_squeeze %dma_start3A_504 : memref<1x128x128xf32, #tpu.memory_space<hbm>> -> memref<128x128xf32, #tpu.memory_space<hbm>>
      %dma_start3A_506 = arith.constant 0 : i32
      %dma_start3A_507 = tpu.memref_slice %arg4[%select_n3A, %add3A_502, %dma_start3A_506] : memref<50x16384x128xf32, #tpu.memory_space<hbm>> -> memref<1x128x128xf32, #tpu.memory_space<hbm>>
      %dma_start3A_508 = tpu.memref_squeeze %dma_start3A_507 : memref<1x128x128xf32, #tpu.memory_space<hbm>> -> memref<128x128xf32, #tpu.memory_space<hbm>>
      tpu.enqueue_dma source(%arg6 : memref<128x128xf32, #tpu.memory_space<vmem>>) target(%dma_start3A_508 : memref<128x128xf32, #tpu.memory_space<hbm>>) target_semaphore(%arg17 : memref<!tpu.dma_semaphore, #tpu.memory_space<semaphore_mem>>)
      %mul3A_509 = arith.constant 5 : i32
      %mul3A_510 = arith.muli %scan3A_460, %mul3A_509 : i32
      %add3A_511 = arith.constant 1 : i32
      %add3A_512 = arith.addi %mul3A_510, %add3A_511 : i32
      %add3A_513 = arith.constant 3 : i32
      %add3A_514 = arith.addi %add3A_512, %add3A_513 : i32
      %ge3A_515 = arith.constant 5 : i32
      %ge3A_516 = arith.cmpi sge, %add3A_514, %ge3A_515 : i32
      %lt3A_517 = arith.constant 200 : i32
      %lt3A_518 = arith.cmpi slt, %add3A_514, %lt3A_517 : i32
      %and3A_519 = arith.andi %ge3A_516, %lt3A_518 : i1
      %convert_element_type3A_520 = arith.extui %and3A_519 : i1 to i32
      %cond3A_521 = arith.constant 0 : i32
      %cond3A_522 = arith.cmpi ne, %convert_element_type3A_520, %cond3A_521 : i32
      scf.if %cond3A_522 {
        %dma_wait3A_749 = arith.constant 0 : i32
        %dma_wait3A_750 = arith.constant 0 : i32
        %dma_wait3A_751 = tpu.memref_slice %arg4[%dma_wait3A_749, %mul3A_2, %dma_wait3A_750] : memref<50x16384x128xf32, #tpu.memory_space<hbm>> -> memref<1x128x128xf32, #tpu.memory_space<hbm>>
        %dma_wait3A_752 = tpu.memref_squeeze %dma_wait3A_751 : memref<1x128x128xf32, #tpu.memory_space<hbm>> -> memref<128x128xf32, #tpu.memory_space<hbm>>
        %dma_wait3A_753 = arith.constant 0 : i32
        %dma_wait3A_754 = tpu.memref_slice %arg4[%dma_wait3A_749, %mul3A_2, %dma_wait3A_753] : memref<50x16384x128xf32, #tpu.memory_space<hbm>> -> memref<1x128x128xf32, #tpu.memory_space<hbm>>
        %dma_wait3A_755 = tpu.memref_squeeze %dma_wait3A_754 : memref<1x128x128xf32, #tpu.memory_space<hbm>> -> memref<128x128xf32, #tpu.memory_space<hbm>>
        tpu.wait_dma2 semaphore(%arg21 : memref<!tpu.dma_semaphore, #tpu.memory_space<semaphore_mem>>) src(%arg10 : memref<128x128xf32, #tpu.memory_space<vmem>>) dst(%dma_wait3A_755 : memref<128x128xf32, #tpu.memory_space<hbm>>)
      } else {
      }
      %lt3A_523 = arith.constant 200 : i32
      %lt3A_524 = arith.cmpi slt, %add3A_514, %lt3A_523 : i32
      %convert_element_type3A_525 = arith.extui %lt3A_524 : i1 to i32
      %cond3A_526 = arith.constant 0 : i32
      %cond3A_527 = arith.cmpi ne, %convert_element_type3A_525, %cond3A_526 : i32
      scf.if %cond3A_527 {
        %mul3A_749 = arith.constant 128 : i32
        %mul3A_750 = arith.muli %add3A_514, %mul3A_749 : i32
        %dma_start3A_751 = tpu.memref_slice %arg5[%mul3A_750] : memref<25600xi32, #tpu.memory_space<vmem>> -> memref<128xi32, #tpu.memory_space<vmem>>
        %dma_start3A_752 = arith.constant 0 : i32
        %dma_start3A_753 = arith.constant 0 : i32
        %dma_start3A_754 = tpu.memref_slice %arg3[%dma_start3A_752, %dma_start3A_753] : memref<100000x128xf32, #tpu.memory_space<hbm>> -> memref<100000x128xf32, #tpu.memory_space<hbm>>
        tpu.enqueue_indirect_dma source(%dma_start3A_754 : memref<100000x128xf32, #tpu.memory_space<hbm>>) target(%arg10 : memref<128x128xf32, #tpu.memory_space<vmem>>) offsets(%dma_start3A_751 : memref<128xi32, #tpu.memory_space<vmem>>) semaphore(%arg16 : memref<!tpu.dma_semaphore, #tpu.memory_space<semaphore_mem>>)
      } else {
      }
      %dma_wait3A_528 = arith.constant 0 : i32
      %dma_wait3A_529 = tpu.memref_slice %arg5[%dma_wait3A_528] : memref<25600xi32, #tpu.memory_space<vmem>> -> memref<128xi32, #tpu.memory_space<vmem>>
      %dma_wait3A_530 = arith.constant 0 : i32
      %dma_wait3A_531 = arith.constant 0 : i32
      %dma_wait3A_532 = tpu.memref_slice %arg3[%dma_wait3A_530, %dma_wait3A_531] : memref<100000x128xf32, #tpu.memory_space<hbm>> -> memref<100000x128xf32, #tpu.memory_space<hbm>>
      tpu.wait_indirect_dma semaphore(%arg13 : memref<!tpu.dma_semaphore, #tpu.memory_space<semaphore_mem>>) src(%dma_wait3A_532 : memref<100000x128xf32, #tpu.memory_space<hbm>>) dst(%arg7 : memref<128x128xf32, #tpu.memory_space<vmem>>)
      %jit3A_533 = arith.constant 4 : i32
      %div3A_534 = arith.divsi %add3A_512, %jit3A_533 : i32
      %sign3A_535 = arith.constant 0 : i32
      %sign3A_536 = arith.cmpi sgt, %add3A_512, %sign3A_535 : i32
      %sign3A_537 = arith.extui %sign3A_536 : i1 to i32
      %sign3A_538 = arith.constant 0 : i32
      %sign3A_539 = arith.cmpi slt, %add3A_512, %sign3A_538 : i32
      %sign3A_540 = arith.extui %sign3A_539 : i1 to i32
      %sign3A_541 = arith.subi %sign3A_537, %sign3A_540 : i32
      %sign3A_542 = arith.constant 0 : i32
      %sign3A_543 = arith.cmpi sgt, %jit3A_533, %sign3A_542 : i32
      %sign3A_544 = arith.extui %sign3A_543 : i1 to i32
      %sign3A_545 = arith.constant 0 : i32
      %sign3A_546 = arith.cmpi slt, %jit3A_533, %sign3A_545 : i32
      %sign3A_547 = arith.extui %sign3A_546 : i1 to i32
      %sign3A_548 = arith.subi %sign3A_544, %sign3A_547 : i32
      %ne3A_549 = arith.cmpi ne, %sign3A_541, %sign3A_548 : i32
      %rem3A_550 = arith.remsi %add3A_512, %jit3A_533 : i32
      %ne3A_551 = arith.constant 0 : i32
      %ne3A_552 = arith.cmpi ne, %rem3A_550, %ne3A_551 : i32
      %and3A_553 = arith.andi %ne3A_549, %ne3A_552 : i1
      %sub3A_554 = arith.constant 1 : i32
      %sub3A_555 = arith.subi %div3A_534, %sub3A_554 : i32
      %select_n3A_556 = arith.select %and3A_553, %sub3A_555, %div3A_534 : i32
      %mul3A_557 = arith.constant 4 : i32
      %mul3A_558 = arith.muli %select_n3A_556, %mul3A_557 : i32
      %sub3A_559 = arith.subi %add3A_512, %mul3A_558 : i32
      %mul3A_560 = arith.constant 128 : i32
      %mul3A_561 = arith.muli %sub3A_559, %mul3A_560 : i32
      %add3A_562 = arith.addi %mul3A_2, %mul3A_561 : i32
      %dma_start3A_563 = arith.constant 0 : i32
      %dma_start3A_564 = tpu.memref_slice %arg4[%select_n3A_556, %add3A_562, %dma_start3A_563] : memref<50x16384x128xf32, #tpu.memory_space<hbm>> -> memref<1x128x128xf32, #tpu.memory_space<hbm>>
      %dma_start3A_565 = tpu.memref_squeeze %dma_start3A_564 : memref<1x128x128xf32, #tpu.memory_space<hbm>> -> memref<128x128xf32, #tpu.memory_space<hbm>>
      %dma_start3A_566 = arith.constant 0 : i32
      %dma_start3A_567 = tpu.memref_slice %arg4[%select_n3A_556, %add3A_562, %dma_start3A_566] : memref<50x16384x128xf32, #tpu.memory_space<hbm>> -> memref<1x128x128xf32, #tpu.memory_space<hbm>>
      %dma_start3A_568 = tpu.memref_squeeze %dma_start3A_567 : memref<1x128x128xf32, #tpu.memory_space<hbm>> -> memref<128x128xf32, #tpu.memory_space<hbm>>
      tpu.enqueue_dma source(%arg7 : memref<128x128xf32, #tpu.memory_space<vmem>>) target(%dma_start3A_568 : memref<128x128xf32, #tpu.memory_space<hbm>>) target_semaphore(%arg18 : memref<!tpu.dma_semaphore, #tpu.memory_space<semaphore_mem>>)
      %mul3A_569 = arith.constant 5 : i32
      %mul3A_570 = arith.muli %scan3A_460, %mul3A_569 : i32
      %add3A_571 = arith.constant 2 : i32
      %add3A_572 = arith.addi %mul3A_570, %add3A_571 : i32
      %add3A_573 = arith.constant 3 : i32
      %add3A_574 = arith.addi %add3A_572, %add3A_573 : i32
      %ge3A_575 = arith.constant 5 : i32
      %ge3A_576 = arith.cmpi sge, %add3A_574, %ge3A_575 : i32
      %lt3A_577 = arith.constant 200 : i32
      %lt3A_578 = arith.cmpi slt, %add3A_574, %lt3A_577 : i32
      %and3A_579 = arith.andi %ge3A_576, %lt3A_578 : i1
      %convert_element_type3A_580 = arith.extui %and3A_579 : i1 to i32
      %cond3A_581 = arith.constant 0 : i32
      %cond3A_582 = arith.cmpi ne, %convert_element_type3A_580, %cond3A_581 : i32
      scf.if %cond3A_582 {
        %dma_wait3A_749 = arith.constant 0 : i32
        %dma_wait3A_750 = arith.constant 0 : i32
        %dma_wait3A_751 = tpu.memref_slice %arg4[%dma_wait3A_749, %mul3A_2, %dma_wait3A_750] : memref<50x16384x128xf32, #tpu.memory_space<hbm>> -> memref<1x128x128xf32, #tpu.memory_space<hbm>>
        %dma_wait3A_752 = tpu.memref_squeeze %dma_wait3A_751 : memref<1x128x128xf32, #tpu.memory_space<hbm>> -> memref<128x128xf32, #tpu.memory_space<hbm>>
        %dma_wait3A_753 = arith.constant 0 : i32
        %dma_wait3A_754 = tpu.memref_slice %arg4[%dma_wait3A_749, %mul3A_2, %dma_wait3A_753] : memref<50x16384x128xf32, #tpu.memory_space<hbm>> -> memref<1x128x128xf32, #tpu.memory_space<hbm>>
        %dma_wait3A_755 = tpu.memref_squeeze %dma_wait3A_754 : memref<1x128x128xf32, #tpu.memory_space<hbm>> -> memref<128x128xf32, #tpu.memory_space<hbm>>
        tpu.wait_dma2 semaphore(%arg17 : memref<!tpu.dma_semaphore, #tpu.memory_space<semaphore_mem>>) src(%arg6 : memref<128x128xf32, #tpu.memory_space<vmem>>) dst(%dma_wait3A_755 : memref<128x128xf32, #tpu.memory_space<hbm>>)
      } else {
      }
      %lt3A_583 = arith.constant 200 : i32
      %lt3A_584 = arith.cmpi slt, %add3A_574, %lt3A_583 : i32
      %convert_element_type3A_585 = arith.extui %lt3A_584 : i1 to i32
      %cond3A_586 = arith.constant 0 : i32
      %cond3A_587 = arith.cmpi ne, %convert_element_type3A_585, %cond3A_586 : i32
      scf.if %cond3A_587 {
        %mul3A_749 = arith.constant 128 : i32
        %mul3A_750 = arith.muli %add3A_574, %mul3A_749 : i32
        %dma_start3A_751 = tpu.memref_slice %arg5[%mul3A_750] : memref<25600xi32, #tpu.memory_space<vmem>> -> memref<128xi32, #tpu.memory_space<vmem>>
        %dma_start3A_752 = arith.constant 0 : i32
        %dma_start3A_753 = arith.constant 0 : i32
        %dma_start3A_754 = tpu.memref_slice %arg3[%dma_start3A_752, %dma_start3A_753] : memref<100000x128xf32, #tpu.memory_space<hbm>> -> memref<100000x128xf32, #tpu.memory_space<hbm>>
        tpu.enqueue_indirect_dma source(%dma_start3A_754 : memref<100000x128xf32, #tpu.memory_space<hbm>>) target(%arg6 : memref<128x128xf32, #tpu.memory_space<vmem>>) offsets(%dma_start3A_751 : memref<128xi32, #tpu.memory_space<vmem>>) semaphore(%arg12 : memref<!tpu.dma_semaphore, #tpu.memory_space<semaphore_mem>>)
      } else {
      }
      %dma_wait3A_588 = arith.constant 0 : i32
      %dma_wait3A_589 = tpu.memref_slice %arg5[%dma_wait3A_588] : memref<25600xi32, #tpu.memory_space<vmem>> -> memref<128xi32, #tpu.memory_space<vmem>>
      %dma_wait3A_590 = arith.constant 0 : i32
      %dma_wait3A_591 = arith.constant 0 : i32
      %dma_wait3A_592 = tpu.memref_slice %arg3[%dma_wait3A_590, %dma_wait3A_591] : memref<100000x128xf32, #tpu.memory_space<hbm>> -> memref<100000x128xf32, #tpu.memory_space<hbm>>
      tpu.wait_indirect_dma semaphore(%arg14 : memref<!tpu.dma_semaphore, #tpu.memory_space<semaphore_mem>>) src(%dma_wait3A_592 : memref<100000x128xf32, #tpu.memory_space<hbm>>) dst(%arg8 : memref<128x128xf32, #tpu.memory_space<vmem>>)
      %jit3A_593 = arith.constant 4 : i32
      %div3A_594 = arith.divsi %add3A_572, %jit3A_593 : i32
      %sign3A_595 = arith.constant 0 : i32
      %sign3A_596 = arith.cmpi sgt, %add3A_572, %sign3A_595 : i32
      %sign3A_597 = arith.extui %sign3A_596 : i1 to i32
      %sign3A_598 = arith.constant 0 : i32
      %sign3A_599 = arith.cmpi slt, %add3A_572, %sign3A_598 : i32
      %sign3A_600 = arith.extui %sign3A_599 : i1 to i32
      %sign3A_601 = arith.subi %sign3A_597, %sign3A_600 : i32
      %sign3A_602 = arith.constant 0 : i32
      %sign3A_603 = arith.cmpi sgt, %jit3A_593, %sign3A_602 : i32
      %sign3A_604 = arith.extui %sign3A_603 : i1 to i32
      %sign3A_605 = arith.constant 0 : i32
      %sign3A_606 = arith.cmpi slt, %jit3A_593, %sign3A_605 : i32
      %sign3A_607 = arith.extui %sign3A_606 : i1 to i32
      %sign3A_608 = arith.subi %sign3A_604, %sign3A_607 : i32
      %ne3A_609 = arith.cmpi ne, %sign3A_601, %sign3A_608 : i32
      %rem3A_610 = arith.remsi %add3A_572, %jit3A_593 : i32
      %ne3A_611 = arith.constant 0 : i32
      %ne3A_612 = arith.cmpi ne, %rem3A_610, %ne3A_611 : i32
      %and3A_613 = arith.andi %ne3A_609, %ne3A_612 : i1
      %sub3A_614 = arith.constant 1 : i32
      %sub3A_615 = arith.subi %div3A_594, %sub3A_614 : i32
      %select_n3A_616 = arith.select %and3A_613, %sub3A_615, %div3A_594 : i32
      %mul3A_617 = arith.constant 4 : i32
      %mul3A_618 = arith.muli %select_n3A_616, %mul3A_617 : i32
      %sub3A_619 = arith.subi %add3A_572, %mul3A_618 : i32
      %mul3A_620 = arith.constant 128 : i32
      %mul3A_621 = arith.muli %sub3A_619, %mul3A_620 : i32
      %add3A_622 = arith.addi %mul3A_2, %mul3A_621 : i32
      %dma_start3A_623 = arith.constant 0 : i32
      %dma_start3A_624 = tpu.memref_slice %arg4[%select_n3A_616, %add3A_622, %dma_start3A_623] : memref<50x16384x128xf32, #tpu.memory_space<hbm>> -> memref<1x128x128xf32, #tpu.memory_space<hbm>>
      %dma_start3A_625 = tpu.memref_squeeze %dma_start3A_624 : memref<1x128x128xf32, #tpu.memory_space<hbm>> -> memref<128x128xf32, #tpu.memory_space<hbm>>
      %dma_start3A_626 = arith.constant 0 : i32
      %dma_start3A_627 = tpu.memref_slice %arg4[%select_n3A_616, %add3A_622, %dma_start3A_626] : memref<50x16384x128xf32, #tpu.memory_space<hbm>> -> memref<1x128x128xf32, #tpu.memory_space<hbm>>
      %dma_start3A_628 = tpu.memref_squeeze %dma_start3A_627 : memref<1x128x128xf32, #tpu.memory_space<hbm>> -> memref<128x128xf32, #tpu.memory_space<hbm>>
      tpu.enqueue_dma source(%arg8 : memref<128x128xf32, #tpu.memory_space<vmem>>) target(%dma_start3A_628 : memref<128x128xf32, #tpu.memory_space<hbm>>) target_semaphore(%arg19 : memref<!tpu.dma_semaphore, #tpu.memory_space<semaphore_mem>>)
      %mul3A_629 = arith.constant 5 : i32
      %mul3A_630 = arith.muli %scan3A_460, %mul3A_629 : i32
      %add3A_631 = arith.constant 3 : i32
      %add3A_632 = arith.addi %mul3A_630, %add3A_631 : i32
      %add3A_633 = arith.constant 3 : i32
      %add3A_634 = arith.addi %add3A_632, %add3A_633 : i32
      %ge3A_635 = arith.constant 5 : i32
      %ge3A_636 = arith.cmpi sge, %add3A_634, %ge3A_635 : i32
      %lt3A_637 = arith.constant 200 : i32
      %lt3A_638 = arith.cmpi slt, %add3A_634, %lt3A_637 : i32
      %and3A_639 = arith.andi %ge3A_636, %lt3A_638 : i1
      %convert_element_type3A_640 = arith.extui %and3A_639 : i1 to i32
      %cond3A_641 = arith.constant 0 : i32
      %cond3A_642 = arith.cmpi ne, %convert_element_type3A_640, %cond3A_641 : i32
      scf.if %cond3A_642 {
        %dma_wait3A_749 = arith.constant 0 : i32
        %dma_wait3A_750 = arith.constant 0 : i32
        %dma_wait3A_751 = tpu.memref_slice %arg4[%dma_wait3A_749, %mul3A_2, %dma_wait3A_750] : memref<50x16384x128xf32, #tpu.memory_space<hbm>> -> memref<1x128x128xf32, #tpu.memory_space<hbm>>
        %dma_wait3A_752 = tpu.memref_squeeze %dma_wait3A_751 : memref<1x128x128xf32, #tpu.memory_space<hbm>> -> memref<128x128xf32, #tpu.memory_space<hbm>>
        %dma_wait3A_753 = arith.constant 0 : i32
        %dma_wait3A_754 = tpu.memref_slice %arg4[%dma_wait3A_749, %mul3A_2, %dma_wait3A_753] : memref<50x16384x128xf32, #tpu.memory_space<hbm>> -> memref<1x128x128xf32, #tpu.memory_space<hbm>>
        %dma_wait3A_755 = tpu.memref_squeeze %dma_wait3A_754 : memref<1x128x128xf32, #tpu.memory_space<hbm>> -> memref<128x128xf32, #tpu.memory_space<hbm>>
        tpu.wait_dma2 semaphore(%arg18 : memref<!tpu.dma_semaphore, #tpu.memory_space<semaphore_mem>>) src(%arg7 : memref<128x128xf32, #tpu.memory_space<vmem>>) dst(%dma_wait3A_755 : memref<128x128xf32, #tpu.memory_space<hbm>>)
      } else {
      }
      %lt3A_643 = arith.constant 200 : i32
      %lt3A_644 = arith.cmpi slt, %add3A_634, %lt3A_643 : i32
      %convert_element_type3A_645 = arith.extui %lt3A_644 : i1 to i32
      %cond3A_646 = arith.constant 0 : i32
      %cond3A_647 = arith.cmpi ne, %convert_element_type3A_645, %cond3A_646 : i32
      scf.if %cond3A_647 {
        %mul3A_749 = arith.constant 128 : i32
        %mul3A_750 = arith.muli %add3A_634, %mul3A_749 : i32
        %dma_start3A_751 = tpu.memref_slice %arg5[%mul3A_750] : memref<25600xi32, #tpu.memory_space<vmem>> -> memref<128xi32, #tpu.memory_space<vmem>>
        %dma_start3A_752 = arith.constant 0 : i32
        %dma_start3A_753 = arith.constant 0 : i32
        %dma_start3A_754 = tpu.memref_slice %arg3[%dma_start3A_752, %dma_start3A_753] : memref<100000x128xf32, #tpu.memory_space<hbm>> -> memref<100000x128xf32, #tpu.memory_space<hbm>>
        tpu.enqueue_indirect_dma source(%dma_start3A_754 : memref<100000x128xf32, #tpu.memory_space<hbm>>) target(%arg7 : memref<128x128xf32, #tpu.memory_space<vmem>>) offsets(%dma_start3A_751 : memref<128xi32, #tpu.memory_space<vmem>>) semaphore(%arg13 : memref<!tpu.dma_semaphore, #tpu.memory_space<semaphore_mem>>)
      } else {
      }
      %dma_wait3A_648 = arith.constant 0 : i32
      %dma_wait3A_649 = tpu.memref_slice %arg5[%dma_wait3A_648] : memref<25600xi32, #tpu.memory_space<vmem>> -> memref<128xi32, #tpu.memory_space<vmem>>
      %dma_wait3A_650 = arith.constant 0 : i32
      %dma_wait3A_651 = arith.constant 0 : i32
      %dma_wait3A_652 = tpu.memref_slice %arg3[%dma_wait3A_650, %dma_wait3A_651] : memref<100000x128xf32, #tpu.memory_space<hbm>> -> memref<100000x128xf32, #tpu.memory_space<hbm>>
      tpu.wait_indirect_dma semaphore(%arg15 : memref<!tpu.dma_semaphore, #tpu.memory_space<semaphore_mem>>) src(%dma_wait3A_652 : memref<100000x128xf32, #tpu.memory_space<hbm>>) dst(%arg9 : memref<128x128xf32, #tpu.memory_space<vmem>>)
      %jit3A_653 = arith.constant 4 : i32
      %div3A_654 = arith.divsi %add3A_632, %jit3A_653 : i32
      %sign3A_655 = arith.constant 0 : i32
      %sign3A_656 = arith.cmpi sgt, %add3A_632, %sign3A_655 : i32
      %sign3A_657 = arith.extui %sign3A_656 : i1 to i32
      %sign3A_658 = arith.constant 0 : i32
      %sign3A_659 = arith.cmpi slt, %add3A_632, %sign3A_658 : i32
      %sign3A_660 = arith.extui %sign3A_659 : i1 to i32
      %sign3A_661 = arith.subi %sign3A_657, %sign3A_660 : i32
      %sign3A_662 = arith.constant 0 : i32
      %sign3A_663 = arith.cmpi sgt, %jit3A_653, %sign3A_662 : i32
      %sign3A_664 = arith.extui %sign3A_663 : i1 to i32
      %sign3A_665 = arith.constant 0 : i32
      %sign3A_666 = arith.cmpi slt, %jit3A_653, %sign3A_665 : i32
      %sign3A_667 = arith.extui %sign3A_666 : i1 to i32
      %sign3A_668 = arith.subi %sign3A_664, %sign3A_667 : i32
      %ne3A_669 = arith.cmpi ne, %sign3A_661, %sign3A_668 : i32
      %rem3A_670 = arith.remsi %add3A_632, %jit3A_653 : i32
      %ne3A_671 = arith.constant 0 : i32
      %ne3A_672 = arith.cmpi ne, %rem3A_670, %ne3A_671 : i32
      %and3A_673 = arith.andi %ne3A_669, %ne3A_672 : i1
      %sub3A_674 = arith.constant 1 : i32
      %sub3A_675 = arith.subi %div3A_654, %sub3A_674 : i32
      %select_n3A_676 = arith.select %and3A_673, %sub3A_675, %div3A_654 : i32
      %mul3A_677 = arith.constant 4 : i32
      %mul3A_678 = arith.muli %select_n3A_676, %mul3A_677 : i32
      %sub3A_679 = arith.subi %add3A_632, %mul3A_678 : i32
      %mul3A_680 = arith.constant 128 : i32
      %mul3A_681 = arith.muli %sub3A_679, %mul3A_680 : i32
      %add3A_682 = arith.addi %mul3A_2, %mul3A_681 : i32
      %dma_start3A_683 = arith.constant 0 : i32
      %dma_start3A_684 = tpu.memref_slice %arg4[%select_n3A_676, %add3A_682, %dma_start3A_683] : memref<50x16384x128xf32, #tpu.memory_space<hbm>> -> memref<1x128x128xf32, #tpu.memory_space<hbm>>
      %dma_start3A_685 = tpu.memref_squeeze %dma_start3A_684 : memref<1x128x128xf32, #tpu.memory_space<hbm>> -> memref<128x128xf32, #tpu.memory_space<hbm>>
      %dma_start3A_686 = arith.constant 0 : i32
      %dma_start3A_687 = tpu.memref_slice %arg4[%select_n3A_676, %add3A_682, %dma_start3A_686] : memref<50x16384x128xf32, #tpu.memory_space<hbm>> -> memref<1x128x128xf32, #tpu.memory_space<hbm>>
      %dma_start3A_688 = tpu.memref_squeeze %dma_start3A_687 : memref<1x128x128xf32, #tpu.memory_space<hbm>> -> memref<128x128xf32, #tpu.memory_space<hbm>>
      tpu.enqueue_dma source(%arg9 : memref<128x128xf32, #tpu.memory_space<vmem>>) target(%dma_start3A_688 : memref<128x128xf32, #tpu.memory_space<hbm>>) target_semaphore(%arg20 : memref<!tpu.dma_semaphore, #tpu.memory_space<semaphore_mem>>)
      %mul3A_689 = arith.constant 5 : i32
      %mul3A_690 = arith.muli %scan3A_460, %mul3A_689 : i32
      %add3A_691 = arith.constant 4 : i32
      %add3A_692 = arith.addi %mul3A_690, %add3A_691 : i32
      %add3A_693 = arith.constant 3 : i32
      %add3A_694 = arith.addi %add3A_692, %add3A_693 : i32
      %ge3A_695 = arith.constant 5 : i32
      %ge3A_696 = arith.cmpi sge, %add3A_694, %ge3A_695 : i32
      %lt3A_697 = arith.constant 200 : i32
      %lt3A_698 = arith.cmpi slt, %add3A_694, %lt3A_697 : i32
      %and3A_699 = arith.andi %ge3A_696, %lt3A_698 : i1
      %convert_element_type3A_700 = arith.extui %and3A_699 : i1 to i32
      %cond3A_701 = arith.constant 0 : i32
      %cond3A_702 = arith.cmpi ne, %convert_element_type3A_700, %cond3A_701 : i32
      scf.if %cond3A_702 {
        %dma_wait3A_749 = arith.constant 0 : i32
        %dma_wait3A_750 = arith.constant 0 : i32
        %dma_wait3A_751 = tpu.memref_slice %arg4[%dma_wait3A_749, %mul3A_2, %dma_wait3A_750] : memref<50x16384x128xf32, #tpu.memory_space<hbm>> -> memref<1x128x128xf32, #tpu.memory_space<hbm>>
        %dma_wait3A_752 = tpu.memref_squeeze %dma_wait3A_751 : memref<1x128x128xf32, #tpu.memory_space<hbm>> -> memref<128x128xf32, #tpu.memory_space<hbm>>
        %dma_wait3A_753 = arith.constant 0 : i32
        %dma_wait3A_754 = tpu.memref_slice %arg4[%dma_wait3A_749, %mul3A_2, %dma_wait3A_753] : memref<50x16384x128xf32, #tpu.memory_space<hbm>> -> memref<1x128x128xf32, #tpu.memory_space<hbm>>
        %dma_wait3A_755 = tpu.memref_squeeze %dma_wait3A_754 : memref<1x128x128xf32, #tpu.memory_space<hbm>> -> memref<128x128xf32, #tpu.memory_space<hbm>>
        tpu.wait_dma2 semaphore(%arg19 : memref<!tpu.dma_semaphore, #tpu.memory_space<semaphore_mem>>) src(%arg8 : memref<128x128xf32, #tpu.memory_space<vmem>>) dst(%dma_wait3A_755 : memref<128x128xf32, #tpu.memory_space<hbm>>)
      } else {
      }
      %lt3A_703 = arith.constant 200 : i32
      %lt3A_704 = arith.cmpi slt, %add3A_694, %lt3A_703 : i32
      %convert_element_type3A_705 = arith.extui %lt3A_704 : i1 to i32
      %cond3A_706 = arith.constant 0 : i32
      %cond3A_707 = arith.cmpi ne, %convert_element_type3A_705, %cond3A_706 : i32
      scf.if %cond3A_707 {
        %mul3A_749 = arith.constant 128 : i32
        %mul3A_750 = arith.muli %add3A_694, %mul3A_749 : i32
        %dma_start3A_751 = tpu.memref_slice %arg5[%mul3A_750] : memref<25600xi32, #tpu.memory_space<vmem>> -> memref<128xi32, #tpu.memory_space<vmem>>
        %dma_start3A_752 = arith.constant 0 : i32
        %dma_start3A_753 = arith.constant 0 : i32
        %dma_start3A_754 = tpu.memref_slice %arg3[%dma_start3A_752, %dma_start3A_753] : memref<100000x128xf32, #tpu.memory_space<hbm>> -> memref<100000x128xf32, #tpu.memory_space<hbm>>
        tpu.enqueue_indirect_dma source(%dma_start3A_754 : memref<100000x128xf32, #tpu.memory_space<hbm>>) target(%arg8 : memref<128x128xf32, #tpu.memory_space<vmem>>) offsets(%dma_start3A_751 : memref<128xi32, #tpu.memory_space<vmem>>) semaphore(%arg14 : memref<!tpu.dma_semaphore, #tpu.memory_space<semaphore_mem>>)
      } else {
      }
      %dma_wait3A_708 = arith.constant 0 : i32
      %dma_wait3A_709 = tpu.memref_slice %arg5[%dma_wait3A_708] : memref<25600xi32, #tpu.memory_space<vmem>> -> memref<128xi32, #tpu.memory_space<vmem>>
      %dma_wait3A_710 = arith.constant 0 : i32
      %dma_wait3A_711 = arith.constant 0 : i32
      %dma_wait3A_712 = tpu.memref_slice %arg3[%dma_wait3A_710, %dma_wait3A_711] : memref<100000x128xf32, #tpu.memory_space<hbm>> -> memref<100000x128xf32, #tpu.memory_space<hbm>>
      tpu.wait_indirect_dma semaphore(%arg16 : memref<!tpu.dma_semaphore, #tpu.memory_space<semaphore_mem>>) src(%dma_wait3A_712 : memref<100000x128xf32, #tpu.memory_space<hbm>>) dst(%arg10 : memref<128x128xf32, #tpu.memory_space<vmem>>)
      %jit3A_713 = arith.constant 4 : i32
      %div3A_714 = arith.divsi %add3A_692, %jit3A_713 : i32
      %sign3A_715 = arith.constant 0 : i32
      %sign3A_716 = arith.cmpi sgt, %add3A_692, %sign3A_715 : i32
      %sign3A_717 = arith.extui %sign3A_716 : i1 to i32
      %sign3A_718 = arith.constant 0 : i32
      %sign3A_719 = arith.cmpi slt, %add3A_692, %sign3A_718 : i32
      %sign3A_720 = arith.extui %sign3A_719 : i1 to i32
      %sign3A_721 = arith.subi %sign3A_717, %sign3A_720 : i32
      %sign3A_722 = arith.constant 0 : i32
      %sign3A_723 = arith.cmpi sgt, %jit3A_713, %sign3A_722 : i32
      %sign3A_724 = arith.extui %sign3A_723 : i1 to i32
      %sign3A_725 = arith.constant 0 : i32
      %sign3A_726 = arith.cmpi slt, %jit3A_713, %sign3A_725 : i32
      %sign3A_727 = arith.extui %sign3A_726 : i1 to i32
      %sign3A_728 = arith.subi %sign3A_724, %sign3A_727 : i32
      %ne3A_729 = arith.cmpi ne, %sign3A_721, %sign3A_728 : i32
      %rem3A_730 = arith.remsi %add3A_692, %jit3A_713 : i32
      %ne3A_731 = arith.constant 0 : i32
      %ne3A_732 = arith.cmpi ne, %rem3A_730, %ne3A_731 : i32
      %and3A_733 = arith.andi %ne3A_729, %ne3A_732 : i1
      %sub3A_734 = arith.constant 1 : i32
      %sub3A_735 = arith.subi %div3A_714, %sub3A_734 : i32
      %select_n3A_736 = arith.select %and3A_733, %sub3A_735, %div3A_714 : i32
      %mul3A_737 = arith.constant 4 : i32
      %mul3A_738 = arith.muli %select_n3A_736, %mul3A_737 : i32
      %sub3A_739 = arith.subi %add3A_692, %mul3A_738 : i32
      %mul3A_740 = arith.constant 128 : i32
      %mul3A_741 = arith.muli %sub3A_739, %mul3A_740 : i32
      %add3A_742 = arith.addi %mul3A_2, %mul3A_741 : i32
      %dma_start3A_743 = arith.constant 0 : i32
      %dma_start3A_744 = tpu.memref_slice %arg4[%select_n3A_736, %add3A_742, %dma_start3A_743] : memref<50x16384x128xf32, #tpu.memory_space<hbm>> -> memref<1x128x128xf32, #tpu.memory_space<hbm>>
      %dma_start3A_745 = tpu.memref_squeeze %dma_start3A_744 : memref<1x128x128xf32, #tpu.memory_space<hbm>> -> memref<128x128xf32, #tpu.memory_space<hbm>>
      %dma_start3A_746 = arith.constant 0 : i32
      %dma_start3A_747 = tpu.memref_slice %arg4[%select_n3A_736, %add3A_742, %dma_start3A_746] : memref<50x16384x128xf32, #tpu.memory_space<hbm>> -> memref<1x128x128xf32, #tpu.memory_space<hbm>>
      %dma_start3A_748 = tpu.memref_squeeze %dma_start3A_747 : memref<1x128x128xf32, #tpu.memory_space<hbm>> -> memref<128x128xf32, #tpu.memory_space<hbm>>
      tpu.enqueue_dma source(%arg10 : memref<128x128xf32, #tpu.memory_space<vmem>>) target(%dma_start3A_748 : memref<128x128xf32, #tpu.memory_space<hbm>>) target_semaphore(%arg21 : memref<!tpu.dma_semaphore, #tpu.memory_space<semaphore_mem>>)
    }
    %scan3A_424 = arith.constant 40 : i32
    %dma_wait3A_425 = arith.constant 0 : i32
    %dma_wait3A_426 = arith.constant 0 : i32
    %dma_wait3A_427 = tpu.memref_slice %arg4[%dma_wait3A_425, %mul3A_2, %dma_wait3A_426] : memref<50x16384x128xf32, #tpu.memory_space<hbm>> -> memref<1x128x128xf32, #tpu.memory_space<hbm>>
    %dma_wait3A_428 = tpu.memref_squeeze %dma_wait3A_427 : memref<1x128x128xf32, #tpu.memory_space<hbm>> -> memref<128x128xf32, #tpu.memory_space<hbm>>
    %dma_wait3A_429 = arith.constant 0 : i32
    %dma_wait3A_430 = tpu.memref_slice %arg4[%dma_wait3A_425, %mul3A_2, %dma_wait3A_429] : memref<50x16384x128xf32, #tpu.memory_space<hbm>> -> memref<1x128x128xf32, #tpu.memory_space<hbm>>
    %dma_wait3A_431 = tpu.memref_squeeze %dma_wait3A_430 : memref<1x128x128xf32, #tpu.memory_space<hbm>> -> memref<128x128xf32, #tpu.memory_space<hbm>>
    tpu.wait_dma2 semaphore(%arg17 : memref<!tpu.dma_semaphore, #tpu.memory_space<semaphore_mem>>) src(%arg6 : memref<128x128xf32, #tpu.memory_space<vmem>>) dst(%dma_wait3A_431 : memref<128x128xf32, #tpu.memory_space<hbm>>)
    %dma_wait3A_432 = arith.constant 0 : i32
    %dma_wait3A_433 = arith.constant 0 : i32
    %dma_wait3A_434 = tpu.memref_slice %arg4[%dma_wait3A_432, %mul3A_2, %dma_wait3A_433] : memref<50x16384x128xf32, #tpu.memory_space<hbm>> -> memref<1x128x128xf32, #tpu.memory_space<hbm>>
    %dma_wait3A_435 = tpu.memref_squeeze %dma_wait3A_434 : memref<1x128x128xf32, #tpu.memory_space<hbm>> -> memref<128x128xf32, #tpu.memory_space<hbm>>
    %dma_wait3A_436 = arith.constant 0 : i32
    %dma_wait3A_437 = tpu.memref_slice %arg4[%dma_wait3A_432, %mul3A_2, %dma_wait3A_436] : memref<50x16384x128xf32, #tpu.memory_space<hbm>> -> memref<1x128x128xf32, #tpu.memory_space<hbm>>
    %dma_wait3A_438 = tpu.memref_squeeze %dma_wait3A_437 : memref<1x128x128xf32, #tpu.memory_space<hbm>> -> memref<128x128xf32, #tpu.memory_space<hbm>>
    tpu.wait_dma2 semaphore(%arg18 : memref<!tpu.dma_semaphore, #tpu.memory_space<semaphore_mem>>) src(%arg7 : memref<128x128xf32, #tpu.memory_space<vmem>>) dst(%dma_wait3A_438 : memref<128x128xf32, #tpu.memory_space<hbm>>)
    %dma_wait3A_439 = arith.constant 0 : i32
    %dma_wait3A_440 = arith.constant 0 : i32
    %dma_wait3A_441 = tpu.memref_slice %arg4[%dma_wait3A_439, %mul3A_2, %dma_wait3A_440] : memref<50x16384x128xf32, #tpu.memory_space<hbm>> -> memref<1x128x128xf32, #tpu.memory_space<hbm>>
    %dma_wait3A_442 = tpu.memref_squeeze %dma_wait3A_441 : memref<1x128x128xf32, #tpu.memory_space<hbm>> -> memref<128x128xf32, #tpu.memory_space<hbm>>
    %dma_wait3A_443 = arith.constant 0 : i32
    %dma_wait3A_444 = tpu.memref_slice %arg4[%dma_wait3A_439, %mul3A_2, %dma_wait3A_443] : memref<50x16384x128xf32, #tpu.memory_space<hbm>> -> memref<1x128x128xf32, #tpu.memory_space<hbm>>
    %dma_wait3A_445 = tpu.memref_squeeze %dma_wait3A_444 : memref<1x128x128xf32, #tpu.memory_space<hbm>> -> memref<128x128xf32, #tpu.memory_space<hbm>>
    tpu.wait_dma2 semaphore(%arg19 : memref<!tpu.dma_semaphore, #tpu.memory_space<semaphore_mem>>) src(%arg8 : memref<128x128xf32, #tpu.memory_space<vmem>>) dst(%dma_wait3A_445 : memref<128x128xf32, #tpu.memory_space<hbm>>)
    %dma_wait3A_446 = arith.constant 0 : i32
    %dma_wait3A_447 = arith.constant 0 : i32
    %dma_wait3A_448 = tpu.memref_slice %arg4[%dma_wait3A_446, %mul3A_2, %dma_wait3A_447] : memref<50x16384x128xf32, #tpu.memory_space<hbm>> -> memref<1x128x128xf32, #tpu.memory_space<hbm>>
    %dma_wait3A_449 = tpu.memref_squeeze %dma_wait3A_448 : memref<1x128x128xf32, #tpu.memory_space<hbm>> -> memref<128x128xf32, #tpu.memory_space<hbm>>
    %dma_wait3A_450 = arith.constant 0 : i32
    %dma_wait3A_451 = tpu.memref_slice %arg4[%dma_wait3A_446, %mul3A_2, %dma_wait3A_450] : memref<50x16384x128xf32, #tpu.memory_space<hbm>> -> memref<1x128x128xf32, #tpu.memory_space<hbm>>
    %dma_wait3A_452 = tpu.memref_squeeze %dma_wait3A_451 : memref<1x128x128xf32, #tpu.memory_space<hbm>> -> memref<128x128xf32, #tpu.memory_space<hbm>>
    tpu.wait_dma2 semaphore(%arg20 : memref<!tpu.dma_semaphore, #tpu.memory_space<semaphore_mem>>) src(%arg9 : memref<128x128xf32, #tpu.memory_space<vmem>>) dst(%dma_wait3A_452 : memref<128x128xf32, #tpu.memory_space<hbm>>)
    %dma_wait3A_453 = arith.constant 0 : i32
    %dma_wait3A_454 = arith.constant 0 : i32
    %dma_wait3A_455 = tpu.memref_slice %arg4[%dma_wait3A_453, %mul3A_2, %dma_wait3A_454] : memref<50x16384x128xf32, #tpu.memory_space<hbm>> -> memref<1x128x128xf32, #tpu.memory_space<hbm>>
    %dma_wait3A_456 = tpu.memref_squeeze %dma_wait3A_455 : memref<1x128x128xf32, #tpu.memory_space<hbm>> -> memref<128x128xf32, #tpu.memory_space<hbm>>
    %dma_wait3A_457 = arith.constant 0 : i32
    %dma_wait3A_458 = tpu.memref_slice %arg4[%dma_wait3A_453, %mul3A_2, %dma_wait3A_457] : memref<50x16384x128xf32, #tpu.memory_space<hbm>> -> memref<1x128x128xf32, #tpu.memory_space<hbm>>
    %dma_wait3A_459 = tpu.memref_squeeze %dma_wait3A_458 : memref<1x128x128xf32, #tpu.memory_space<hbm>> -> memref<128x128xf32, #tpu.memory_space<hbm>>
    tpu.wait_dma2 semaphore(%arg21 : memref<!tpu.dma_semaphore, #tpu.memory_space<semaphore_mem>>) src(%arg10 : memref<128x128xf32, #tpu.memory_space<vmem>>) dst(%dma_wait3A_459 : memref<128x128xf32, #tpu.memory_space<hbm>>)
    return
  }
}

</mosaic_0001>

<sc_bundles>
// kernel: kernel.3.cloned.1.call-start
scs
__scs_entry_jumppad:
0x0: {  	(pc) =	sbr.rel $0x88, $3  }
0x1: {  	(tag) =	ssettag $0x0;
	lr =	simm.s32 $0x1  }
0x2: {  	[smem:$0x3F9F] =	sst lr;
	_ =	strace $0xD0000000  }
0x3: {  	_ = 	snop  }
0x4: {  	_ = 	snop  }
0x5: {  	_ = 	snop  }
0x6: {  	_ = 	snop  }
0x7: {  	_ = 	snop  }
__scs_overlays_trampoline_lowered:
0x8: {  	[smem:$0x3FAE] =	sst s0  }
0x9: {  	[smem:$0x3FAF] =	sst s1  }
0xa: {  	[smem:$0x3FB0] =	sst s2  }
0xb: {  	[smem:$0x3FB1] =	sst s3  }
0xc: {  	[smem:$0x3FB2] =	sst s4  }
0xd: {  	[smem:$0x3FB3] =	sst s5  }
0xe: {  	[smem:$0x3FB4] =	sst s6  }
0xf: {  	[smem:$0x3FB5] =	sst s7  }
0x10: {  	[smem:$0x3FB6] =	sst s8  }
0x11: {  	[smem:$0x3FB7] =	sst s9;
	s0 =	simm.s32 @!p0 $0x0  }
0x12: {  	s1 =	sld [smem:$0x3F9D];
	s0 =	simm.s32 @p0 $0x1  }
0x13: {  	[smem:$0x3FB8] =	sst s0;
	s0 =	simm.s32 @!p1 $0x0  }
0x14: {  	s2 =	sld [smem:$0x3F9C];
	s0 =	simm.s32 @p1 $0x1  }
0x15: {  	[smem:$0x3FB9] =	sst s0;
	s0 =	simm.s32 @!p2 $0x0  }
0x16: {  	s3 =	sld [smem:$0x3FDB];
	s0 =	simm.s32 @p2 $0x1  }
0x17: {  	s4 =	simm.s32 $0x1BF5;
	[smem:$0x3FBB] =	sst s0  }
0x18: {  	s0 =	sld [smem:$0x3F9E];
	_ =	swait.ge [sflag:s4], $0x0  }
0x19: {  	s7 =	sld [smem:$0x3F9F]  }
0x1a: {  	s8 =	sadd.s32 $0xFFFFE003, lr  }
0x1b: {  	s9 =	sadd.s32 $0xFFFFFEF7, lr;
	s5 =	simm.s32 $0xFFFFFFFF;
	p2 =	slt.u32 s8, $0xFFFFF086  }
0x1c: {  	p1 =	slt.u32 s9, $0xF7A;
	s5 =	simm.s32 @!p2 $0x0  }
0x1d: {  	s5 =	simm.s32 @p1 $0x1;
	p0 =	seq.s32 s7, s2  }
0x1e: {  	s7 =	smul.u32 @!p0 $0xF7A, s2;
	p2 =	seq.s32 @!p0 s5, $0x0  }
0x1f: {  	s9 =	smul.u32 $0xF7A, s1;
	s8 =	simm.s32 @!p0 $0x1BF5;
	p2 =	por !p2, p0  }
0x20: {  	[sflag:s8] =	ssyncset.s32 @!p0 $0xFFFFF086;
	s6 =	sadd.s32 @!p0 s3, s7;
	s7 =	simm.s32 @!p0 $0x108  }
0x21: {  	s3 =	sadd.s32 s3, s9;
	s6 =	sadd.s32 @!p0 $0x88, s6;
	s7 =	simm.s32 @p2 $0x1082  }
0x22: {  	[simem:s7], [sflag:s8] =	dma.local @!p0 [hbm:s6], $0xF7A  }
0x23: {  	s9 =	sor.u32 $0xD0000000, s2;
	s6 =	simm.s32 $0x108;
	_ =	swait.ge @!p0 [sflag:s8], $0x0  }
0x24: {  	s3 =	sadd.s32 $0x88, s3;
	s6 =	simm.s32 @!p1 $0x1082;
	[sflag:s4] =	ssyncset.s32 $0xFFFFF086  }
0x25: {  	[simem:s6], [sflag:s4] =	dma.local [hbm:s3], $0xF7A  }
0x26: {  	[smem:$0x3F9F] =	sst s1;
	(tag) =	ssettag s2;
	_ =	strace s9  }
0x27: {  	s1 =	sld [smem:$0x3FAF]  }
0x28: {  	s2 =	sld [smem:$0x3FB0]  }
0x29: {  	s4 =	sld [smem:$0x3FB2]  }
0x2a: {  	p0 =	seq.s32 s5, $0x0;
	s5 =	sld [smem:$0x3FB3]  }
0x2b: {  	s6 =	sld [smem:$0x3FB4]  }
0x2c: {  	s7 =	sld [smem:$0x3FB5]  }
0x2d: {  	s3 =	simm.s32 $0x108;
	s8 =	sld [smem:$0x3FB6]  }
0x2e: {  	s3 =	simm.s32 @!p0 $0x1082;
	s9 =	sld [smem:$0x3FB7]  }
0x2f: {  	lr =	sadd.s32 s0, s3;
	s0 =	sld [smem:$0x3FAE]  }
0x30: {  	s3 =	sld [smem:$0x3FB1]  }
0x31: {  	[smem:$0x3FBA] =	sst s10  }
0x32: {  	s10 =	sld [smem:$0x3FB8];
	_ =	sdelay $0x3  }
0x33: {  	p0 =	seq.s32 s10, $0x1;
	s10 =	sld [smem:$0x3FBA];
	_ =	sdelay $0x3  }
0x34: {  	[smem:$0x3FBA] =	sst s10  }
0x35: {  	s10 =	sld [smem:$0x3FB9];
	_ =	sdelay $0x3  }
0x36: {  	p1 =	seq.s32 s10, $0x1;
	s10 =	sld [smem:$0x3FBA];
	_ =	sdelay $0x3  }
0x37: {  	[smem:$0x3FBA] =	sst s10  }
0x38: {  	s10 =	sld [smem:$0x3FBB]  }
0x39: {  	_ = 	snop;
	(pc) =	sbr.ind lr, $3  }
0x3a: {  	_ = 	snop  }
0x3b: {  	_ = 	snop  }
0x3c: {  	p2 =	seq.s32 s10, $0x1;
	s10 =	sld [smem:$0x3FBA]  }
0x3d: {  	_ =	shalt  }
0x3e: {  	_ =	shalt  }
0x3f: {  	_ =	shalt  }
0x40: {  	_ =	shalt  }
0x41: {  	_ =	shalt  }
0x42: {  	_ =	shalt  }
0x43: {  	_ =	shalt  }
0x44: {  	_ =	shalt  }
0x45: {  	_ =	shalt  }
0x46: {  	_ =	shalt  }
0x47: {  	_ =	shalt  }
0x48: {  	_ =	shalt  }
0x49: {  	_ =	shalt  }
0x4a: {  	_ =	shalt  }
0x4b: {  	_ =	shalt  }
0x4c: {  	_ =	shalt  }
0x4d: {  	_ =	shalt  }
0x4e: {  	_ =	shalt  }
0x4f: {  	_ =	shalt  }
0x50: {  	_ =	shalt  }
0x51: {  	_ =	shalt  }
0x52: {  	_ =	shalt  }
0x53: {  	_ =	shalt  }
0x54: {  	_ =	shalt  }
0x55: {  	_ =	shalt  }
0x56: {  	_ =	shalt  }
0x57: {  	_ =	shalt  }
0x58: {  	_ =	shalt  }
0x59: {  	_ =	shalt  }
0x5a: {  	_ =	shalt  }
0x5b: {  	_ =	shalt  }
0x5c: {  	_ =	shalt  }
0x5d: {  	_ =	shalt  }
0x5e: {  	_ =	shalt  }
0x5f: {  	_ =	shalt  }
0x60: {  	_ =	shalt  }
0x61: {  	_ =	shalt  }
0x62: {  	_ =	shalt  }
0x63: {  	_ =	shalt  }
0x64: {  	_ =	shalt  }
0x65: {  	_ =	shalt  }
0x66: {  	_ =	shalt  }
0x67: {  	_ =	shalt  }
0x68: {  	_ =	shalt  }
0x69: {  	_ =	shalt  }
0x6a: {  	_ =	shalt  }
0x6b: {  	_ =	shalt  }
0x6c: {  	_ =	shalt  }
0x6d: {  	_ =	shalt  }
0x6e: {  	_ =	shalt  }
0x6f: {  	_ =	shalt  }
0x70: {  	_ =	shalt  }
0x71: {  	_ =	shalt  }
0x72: {  	_ =	shalt  }
0x73: {  	_ =	shalt  }
0x74: {  	_ =	shalt  }
0x75: {  	_ =	shalt  }
0x76: {  	_ =	shalt  }
0x77: {  	_ =	shalt  }
0x78: {  	_ =	shalt  }
0x79: {  	_ =	shalt  }
0x7a: {  	_ =	shalt  }
0x7b: {  	_ =	shalt  }
0x7c: {  	_ =	shalt  }
0x7d: {  	_ =	shalt  }
0x7e: {  	_ =	shalt  }
0x7f: {  	_ =	shalt  }
0x80: {  	_ =	shalt  }
0x81: {  	_ =	shalt  }
0x82: {  	_ =	shalt  }
0x83: {  	_ =	shalt  }
0x84: {  	_ =	shalt  }
0x85: {  	_ =	shalt  }
0x86: {  	_ =	shalt  }
0x87: {  	_ =	shalt  }
.Lfunc_end0:
.L_simem_size_0:
called_computation_lowered:
.L_overlay_start_0:
0x88: {  	s2 =	sld [smem:$0x3FD9]  }
0x89: {  	s3 =	sld [smem:$0x3FFE];
	_ =	sdelay $0x1  }
0x8a: {  	s1 =	srdreg.scid  }
0x8b: {  	s0 =	sand.u32 $0x1, s1  }
0x8c: {  	s17 =	sshll.u32 s0, $0xA;
	s2 =	sadd.s32 s3, s2  }
0x8d: {  	s2 =	sadd.s32 s2, s17  }
0x8e: {  	[smem:$0x3FC6] =	sst s2  }
0x8f: {  	_ = 	snop  }
0x90: {  	s2 =	sld [smem:$0x3FC8]  }
0x91: {  	s18 =	sld [smem:$0x3FD0];
	(tm) =	ssettm $0x1  }
0x92: {  	s4 =	sld [smem:$0x3FFB];
	_ =	sdelay $0x3  }
0x93: {  	_ =	strace s4  }
0x94: {  	s4 =	sld [smem:$0x3FFC];
	_ =	sdelay $0x3  }
0x95: {  	_ =	strace s4  }
0x96: {  	s4 =	sld [smem:$0x3FFD];
	_ =	sdelay $0x3  }
0x97: {  	_ =	strace s4  }
0x98: {  	_ =	strace $0x8FFFFFFF  }
0x99: {  	s19 =	sld [smem:$0x3FDB];
	_ =	sdelay $0x1  }
0x9a: {  	s5 =	simm.s32 $_scs_section_size  }
0x9b: {  	s6 =	simm.s32 $_size__tile_overlayer_lowered;
	s7 =	simm.s32 $_tile_overlayer_lowered  }
0x9c: {  	s22 =	simm.s32 $0x1BFF;
	s21 =	sshll.u32 s7, $0x1;
	s4 =	sadd.s32 s5, s19  }
0x9d: {  	s8 =	simm.s32 $0x0;
	s20 =	sshll.u32 s6, $0x1;
	s6 =	sadd.s32 s21, s4  }
0x9e: {  	[timem:s8], [sflag:s22] =	dma.local [hbm:s6], s20  }
0x9f: {  	_ =	swait.ge [sflag:s22], s20  }
0xa0: {  	s5 =	ssub.s32 $0x0, s20;
	[sflag:s22] =	ssyncset.done $0x0  }
0xa1: {  	[sflag:s22] =	ssyncadd.s32 s5;
	_ =	sdelay $0x1  }
0xa2: {  	s23 =	simm.s32 $0x1B8B  }
0xa3: {  	_ =	swait.ge [sflag:s23], $0x1  }
0xa4: {  	[sflag:s23] =	ssyncset.done $0x0  }
0xa5: {  	s25 =	simm.s32 $0x1B8E;
	s24 =	sld [smem:$0x3FFE];
	[sflag:s23] =	ssyncadd.s32 $0xFFFFFFFF  }
0xa6: {  	s26 =	simm.s32 $execute0_lowered;
	[smem:$0x3FD2] =	sst s25  }
0xa7: {  	s6 =	sshll.u32 s26, $0x1;
	_ =	strace $0x80000046;
	[dreg:$0x1] =	wrdreg $0xFFFFFFFF  }
0xa8: {  	s28 =	simm.s32 $_size_execute0_lowered;
	s4 =	sadd.s32 s4, s6;
	[dreg:$0x0] =	wrdreg $0x0  }
0xa9: {  	s6 =	sshll.u32 s28, $0x1;
	[dreg:$0x2] =	wrdreg s4  }
0xaa: {  	[dreg:$0x3] =	wrdreg s6  }
0xab: {  	[dreg:$0x4] =	wrdreg $0xC0  }
0xac: {  	_ =	task [dreg:s8], $0x5FFFF  }
0xad: {  	[dreg:$0x1] =	wrdreg $0xFFFFFFFF  }
0xae: {  	[dreg:$0x0] =	wrdreg $0x60  }
0xaf: {  	[dreg:$0x2] =	wrdreg s24  }
0xb0: {  	[dreg:$0x3] =	wrdreg s2  }
0xb1: {  	[dreg:$0x4] =	wrdreg s18  }
0xb2: {  	[dreg:$0x5] =	wrdreg $0x9  }
0xb3: {  	_ =	task.clear_ibuf [dreg:s8], $0x6FFFF;
	_ =	strace $0x90000046  }
0xb4: {  	s29 =	simm.s32 $0x9;
	_ =	strace $0x80000048  }
0xb5: {  	_ =	swait.ge [sflag:s29], $0x1  }
0xb6: {  	[sflag:s29] =	ssyncadd.s32 $0xFFFFFFFF  }
0xb7: {  	_ =	strace $0x90000048  }
0xb8: {  	_ =	sfence  }
0xb9: {  	s30 =	sld [smem:$0x0];
	_ =	sdelay $0x2  }
0xba: {  	s31 =	sshll.u32 s1, $0xD;
	s1 =	sshrl.u32 s1, $0x2  }
0xbb: {  	s3 =	sand.u32 $0x4000, s31;
	s1 =	sadd.s32 s1, s30  }
0xbc: {  	s0 =	sor.u32 s3, s0;
	s1 =	sshll.u32 s1, $0x11  }
0xbd: {  	s0 =	sor.u32 s1, s0  }
0xbe: {  	s0 =	sadd.s32 $0x8F2B, s0  }
0xbf: {  	[sflag:s0] =	ssyncadd.remote.s32 $0x1  }
0xc0: {  	_ =	sfence.sel $0xFFFF  }
0xc1: {  	[dreg:$0x0] =	wrdreg $0xFFFFFFFF;
	(pc) =	sbr.abs _section_cstart, $3  }
0xc2: {  	[dreg:$0x1] =	wrdreg $0xFFFFFFFF  }
0xc3: {  	_ =	task.clear_ibuf [dreg:s8], $0x2FFFF;
	_ =	strace $0x9FFFFFFF  }
0xc4: {  	(tm) =	ssettm $0x7FFFFFFF  }
0xc5: {  	_ =	shalt  }
tec
execute0_lowered:
.L_overlay_start_1:
0x0: {  	(tag) =	ssettag $0x1  }
0x1: {  	s0 =	rddreg [dreg:$0x0];
	s1 =	srdreg.scid  }
0x2: {  	s2 =	rddreg [dreg:$0x1];
	s7 =	stileid.u32;
	s1 =	sand.u32 $0x1, s1  }
0x3: {  	s3 =	rddreg [dreg:$0x2];
	s4 =	sshll.u32 s7, $0xA;
	s5 =	sshll.u32 s1, $0x9  }
0x4: {  	s20 =	sshll.u32 s7, $0x11;
	s6 =	ssub.s32 $0x2, s1;
	s5 =	sor.u32 s5, s4  }
0x5: {  	s1 =	sshll.u32 s1, $0x10;
	s4 =	simm.s32 $0x0;
	s5 =	sshrl.u32 s5, $0x3  }
0x6: {  	s1 =	sor.u32 s1, s20;
	[smem:$0x7FF] =	sst s4;
	s0 =	sadd.s32 s5, s0  }
0x7: {  	_ =	strace $0x80000047;
	[dreg:$0x15] =	wrdreg s1;
	s25 =	sadd.s32 $0x400, s0  }
0x8: {  	s26 =	sadd.s32 $0xC00, s0;
	[dreg:$0x4] =	wrdreg s25  }
0x9: {  	s28 =	sadd.s32 $0x1400, s0;
	[dreg:$0x5] =	wrdreg s26  }
0xa: {  	s29 =	sadd.s32 $0x1C00, s0;
	[dreg:$0x6] =	wrdreg s28  }
0xb: {  	s30 =	sadd.s32 $0x2400, s0;
	[dreg:$0x7] =	wrdreg s29  }
0xc: {  	s8 =	sadd.s32 $0x2C00, s0;
	[dreg:$0x8] =	wrdreg s30  }
0xd: {  	s9 =	sadd.s32 $0x3400, s0;
	[dreg:$0x9] =	wrdreg s8  }
0xe: {  	s10 =	sadd.s32 $0x3C00, s0;
	[dreg:$0xa] =	wrdreg s9  }
0xf: {  	s11 =	sadd.s32 $0x4400, s0;
	[dreg:$0xb] =	wrdreg s10  }
0x10: {  	s12 =	sadd.s32 $0x4C00, s0;
	[dreg:$0xc] =	wrdreg s11  }
0x11: {  	s13 =	sadd.s32 $0x5400, s0;
	[dreg:$0xd] =	wrdreg s12  }
0x12: {  	s14 =	sadd.s32 $0x5C00, s0;
	[dreg:$0xe] =	wrdreg s13  }
0x13: {  	s15 =	sadd.s32 $0x6400, s0;
	[dreg:$0xf] =	wrdreg s14  }
0x14: {  	s16 =	sadd.s32 $0x6C00, s0;
	[dreg:$0x10] =	wrdreg s15  }
0x15: {  	s17 =	sadd.s32 $0x7400, s0;
	[dreg:$0x11] =	wrdreg s16  }
0x16: {  	s18 =	sadd.s32 $0x7C00, s0;
	[dreg:$0x12] =	wrdreg s17  }
0x17: {  	s19 =	sadd.s32 $0x8400, s0;
	[dreg:$0x13] =	wrdreg s18  }
0x18: {  	s21 =	sadd.s32 $0x8C00, s0;
	[dreg:$0x14] =	wrdreg s19  }
0x19: {  	s22 =	sadd.s32 $0x9400, s0;
	[dreg:$0x16] =	wrdreg s21  }
0x1a: {  	s24 =	sshrl.u32 s6, $0x1;
	s23 =	sadd.s32 $0x9C00, s0;
	[dreg:$0x17] =	wrdreg s22  }
0x1b: {  	s5 =	ssub.s32 s6, s24;
	s24 =	sadd.s32 $0xA400, s0;
	[dreg:$0x18] =	wrdreg s23  }
0x1c: {  	s6 =	sadd.s32 $0xD400, s0;
	[dreg:$0x19] =	wrdreg s24  }
0x1d: {  	s7 =	sadd.s32 $0xDC00, s0;
	[dreg:$0x1f] =	wrdreg s6  }
0x1e: {  	s20 =	sadd.s32 $0x14400, s0;
	[smem:$0x7E6] =	sst s7  }
0x1f: {  	s25 =	sadd.s32 $0xAC00, s0;
	[smem:$0x7F3] =	sst s20  }
0x20: {  	s26 =	sadd.s32 $0xB400, s0;
	[dreg:$0x1a] =	wrdreg s25  }
0x21: {  	s28 =	sadd.s32 $0xBC00, s0;
	[dreg:$0x1b] =	wrdreg s26  }
0x22: {  	s29 =	sadd.s32 $0xC400, s0;
	[dreg:$0x1c] =	wrdreg s28  }
0x23: {  	s30 =	sadd.s32 $0xCC00, s0;
	[dreg:$0x1d] =	wrdreg s29  }
0x24: {  	s8 =	sadd.s32 $0xE400, s0;
	[dreg:$0x1e] =	wrdreg s30  }
0x25: {  	s9 =	sadd.s32 $0xEC00, s0;
	[smem:$0x7E7] =	sst s8  }
0x26: {  	s10 =	sadd.s32 $0xF400, s0;
	[smem:$0x7E8] =	sst s9  }
0x27: {  	s11 =	sadd.s32 $0xFC00, s0;
	[smem:$0x7E9] =	sst s10  }
0x28: {  	s12 =	sadd.s32 $0x10400, s0;
	[smem:$0x7EA] =	sst s11  }
0x29: {  	s13 =	sadd.s32 $0x10C00, s0;
	[smem:$0x7EB] =	sst s12  }
0x2a: {  	s14 =	sadd.s32 $0x11400, s0;
	[smem:$0x7EC] =	sst s13  }
0x2b: {  	s15 =	sadd.s32 $0x11C00, s0;
	[smem:$0x7ED] =	sst s14  }
0x2c: {  	s16 =	sadd.s32 $0x12400, s0;
	[smem:$0x7EE] =	sst s15  }
0x2d: {  	s17 =	sadd.s32 $0x12C00, s0;
	[smem:$0x7EF] =	sst s16  }
0x2e: {  	s18 =	sadd.s32 $0x13400, s0;
	[smem:$0x7F0] =	sst s17  }
0x2f: {  	s19 =	sadd.s32 $0x13C00, s0;
	[smem:$0x7F1] =	sst s18  }
0x30: {  	s31 =	simm.s32 $0x80;
	s21 =	sadd.s32 $0x14C00, s0;
	[smem:$0x7F2] =	sst s19  }
0x31: {  	s1 =	simm.s32 $0x6400;
	s22 =	sadd.s32 $0x15400, s0;
	[smem:$0x7F4] =	sst s21  }
0x32: {  	s23 =	sadd.s32 $0x15C00, s0;
	s24 =	sadd.s32 $0x16400, s0;
	[smem:$0x7F5] =	sst s22  }
0x33: {  	s6 =	simm.s32 $0x12400;
	s7 =	simm.s32 $0x2;
	[smem:$0x7F6] =	sst s23  }
0x34: {  	[smem:$0x7F7] =	sst s24;
	s25 =	sadd.s32 $0x16C00, s0;
	s26 =	sadd.s32 $0x17400, s0  }
0x35: {  	s28 =	sadd.s32 $0x17C00, s0;
	s29 =	sadd.s32 $0x18400, s0;
	[smem:$0x7F8] =	sst s25  }
0x36: {  	s0 =	sadd.s32 $0x18C00, s0;
	s30 =	smax.u32 s5, $0x1;
	[smem:$0x7F9] =	sst s26  }
0x37: {  	s5 =	simm.s32 $0xE400;
	s8 =	simm.s32 $0x16400;
	[smem:$0x7FA] =	sst s28  }
0x38: {  	s9 =	simm.s32 $0x3;
	s10 =	simm.s32 $0x4;
	[smem:$0x7FB] =	sst s29  }
0x39: {  	s11 =	simm.s32 $0x5;
	s12 =	simm.s32 $0x6;
	[smem:$0x7FC] =	sst s0  }
0x3a: {  	s15 =	simm.s32 $0x0;
	[smem:$0x7FD] =	sst s30;
	s0 =	simm.s32 $0xA400  }
.LBB2_1:
0x3b: {  	[smem:$0x7E5] =	sst s15  }
0x3c: {  	s13 =	rddreg [dreg:$0x4]  }
0x3d: {  	s15 =	rddreg [dreg:$0x5]  }
0x3e: {  	[tilespmem:s4], [sflag:$0x1] =	stream.linear.gather [hbm4b:s13+s4], $0x200, $0x38;
	[tilespmem:$0x1A400] =	vst v63  }
0x3f: {  	s14 =	simm.s32 $0x200;
	s16 =	rddreg [dreg:$0x6]  }
0x40: {  	[tilespmem:s14], [sflag:$0x1] =	stream.linear.gather [hbm4b:s15+s4], $0x200, $0x38;
	[tilespmem:$0x1A400] =	vst v63  }
0x41: {  	s17 =	simm.s32 $0x400;
	s18 =	rddreg [dreg:$0x7]  }
0x42: {  	[tilespmem:s17], [sflag:$0x1] =	stream.linear.gather [hbm4b:s16+s4], $0x200, $0x38;
	[tilespmem:$0x1A400] =	vst v63  }
0x43: {  	s19 =	simm.s32 $0x600;
	s20 =	rddreg [dreg:$0x8]  }
0x44: {  	[tilespmem:s19], [sflag:$0x1] =	stream.linear.gather [hbm4b:s18+s4], $0x200, $0x38;
	[tilespmem:$0x1A400] =	vst v63  }
0x45: {  	s21 =	simm.s32 $0x800;
	s22 =	rddreg [dreg:$0x9]  }
0x46: {  	[tilespmem:s21], [sflag:$0x1] =	stream.linear.gather [hbm4b:s20+s4], $0x200, $0x38;
	[tilespmem:$0x1A400] =	vst v63  }
0x47: {  	s23 =	simm.s32 $0xA00;
	s24 =	rddreg [dreg:$0xa]  }
0x48: {  	[tilespmem:s23], [sflag:$0x1] =	stream.linear.gather [hbm4b:s22+s4], $0x200, $0x38;
	[tilespmem:$0x1A400] =	vst v63  }
0x49: {  	s25 =	simm.s32 $0xC00;
	s26 =	rddreg [dreg:$0xb]  }
0x4a: {  	[tilespmem:s25], [sflag:$0x1] =	stream.linear.gather [hbm4b:s24+s4], $0x200, $0x38;
	[tilespmem:$0x1A400] =	vst v63  }
0x4b: {  	s30 =	simm.s32 $0xE00;
	s14 =	rddreg [dreg:$0xc]  }
0x4c: {  	[tilespmem:s30], [sflag:$0x1] =	stream.linear.gather [hbm4b:s26+s4], $0x200, $0x38;
	[tilespmem:$0x1A400] =	vst v63  }
0x4d: {  	s15 =	simm.s32 $0x1000;
	s16 =	rddreg [dreg:$0xd]  }
0x4e: {  	[tilespmem:s15], [sflag:$0x1] =	stream.linear.gather [hbm4b:s14+s4], $0x200, $0x38;
	[tilespmem:$0x1A400] =	vst v63  }
0x4f: {  	s17 =	simm.s32 $0x1200;
	s18 =	rddreg [dreg:$0xe]  }
0x50: {  	[tilespmem:s17], [sflag:$0x1] =	stream.linear.gather [hbm4b:s16+s4], $0x200, $0x38;
	[tilespmem:$0x1A400] =	vst v63  }
0x51: {  	s19 =	simm.s32 $0x1400;
	s20 =	rddreg [dreg:$0xf]  }
0x52: {  	[tilespmem:s19], [sflag:$0x1] =	stream.linear.gather [hbm4b:s18+s4], $0x200, $0x38;
	[tilespmem:$0x1A400] =	vst v63  }
0x53: {  	s21 =	simm.s32 $0x1600;
	s22 =	rddreg [dreg:$0x10]  }
0x54: {  	[tilespmem:s21], [sflag:$0x1] =	stream.linear.gather [hbm4b:s20+s4], $0x200, $0x38;
	[tilespmem:$0x1A400] =	vst v63  }
0x55: {  	s23 =	simm.s32 $0x1800;
	s24 =	rddreg [dreg:$0x11]  }
0x56: {  	[tilespmem:s23], [sflag:$0x1] =	stream.linear.gather [hbm4b:s22+s4], $0x200, $0x38;
	[tilespmem:$0x1A400] =	vst v63  }
0x57: {  	s25 =	simm.s32 $0x1A00;
	s26 =	rddreg [dreg:$0x12]  }
0x58: {  	[tilespmem:s25], [sflag:$0x1] =	stream.linear.gather [hbm4b:s24+s4], $0x200, $0x38;
	[tilespmem:$0x1A400] =	vst v63  }
0x59: {  	s30 =	simm.s32 $0x1C00;
	s14 =	rddreg [dreg:$0x13]  }
0x5a: {  	[tilespmem:s30], [sflag:$0x1] =	stream.linear.gather [hbm4b:s26+s4], $0x200, $0x38;
	[tilespmem:$0x1A400] =	vst v63  }
0x5b: {  	s15 =	simm.s32 $0x1E00;
	s16 =	rddreg [dreg:$0x14]  }
0x5c: {  	[tilespmem:s15], [sflag:$0x1] =	stream.linear.gather [hbm4b:s14+s4], $0x200, $0x38;
	[tilespmem:$0x1A400] =	vst v63  }
0x5d: {  	s17 =	simm.s32 $0x2000;
	s18 =	rddreg [dreg:$0x16]  }
0x5e: {  	[tilespmem:s17], [sflag:$0x1] =	stream.linear.gather [hbm4b:s16+s4], $0x200, $0x38;
	[tilespmem:$0x1A400] =	vst v63  }
0x5f: {  	s19 =	simm.s32 $0x2200;
	s20 =	rddreg [dreg:$0x17]  }
0x60: {  	[tilespmem:s19], [sflag:$0x1] =	stream.linear.gather [hbm4b:s18+s4], $0x200, $0x38;
	[tilespmem:$0x1A400] =	vst v63  }
0x61: {  	s21 =	simm.s32 $0x2400;
	s22 =	rddreg [dreg:$0x18]  }
0x62: {  	[tilespmem:s21], [sflag:$0x1] =	stream.linear.gather [hbm4b:s20+s4], $0x200, $0x38;
	[tilespmem:$0x1A400] =	vst v63  }
0x63: {  	s23 =	simm.s32 $0x2600;
	s24 =	rddreg [dreg:$0x19]  }
0x64: {  	[tilespmem:s23], [sflag:$0x1] =	stream.linear.gather [hbm4b:s22+s4], $0x200, $0x38;
	[tilespmem:$0x1A400] =	vst v63  }
0x65: {  	s25 =	simm.s32 $0x2800;
	s26 =	rddreg [dreg:$0x1a]  }
0x66: {  	[tilespmem:s25], [sflag:$0x1] =	stream.linear.gather [hbm4b:s24+s4], $0x200, $0x38;
	[tilespmem:$0x1A400] =	vst v63  }
0x67: {  	s30 =	simm.s32 $0x2A00;
	s14 =	rddreg [dreg:$0x1b]  }
0x68: {  	[tilespmem:s30], [sflag:$0x1] =	stream.linear.gather [hbm4b:s26+s4], $0x200, $0x38;
	[tilespmem:$0x1A400] =	vst v63  }
0x69: {  	s15 =	simm.s32 $0x2C00;
	s16 =	rddreg [dreg:$0x1c]  }
0x6a: {  	[tilespmem:s15], [sflag:$0x1] =	stream.linear.gather [hbm4b:s14+s4], $0x200, $0x38;
	[tilespmem:$0x1A400] =	vst v63  }
0x6b: {  	s17 =	simm.s32 $0x2E00;
	s18 =	rddreg [dreg:$0x1d]  }
0x6c: {  	[tilespmem:s17], [sflag:$0x1] =	stream.linear.gather [hbm4b:s16+s4], $0x200, $0x38;
	[tilespmem:$0x1A400] =	vst v63  }
0x6d: {  	s19 =	simm.s32 $0x3000;
	s20 =	rddreg [dreg:$0x1e]  }
0x6e: {  	[tilespmem:s19], [sflag:$0x1] =	stream.linear.gather [hbm4b:s18+s4], $0x200, $0x38;
	[tilespmem:$0x1A400] =	vst v63  }
0x6f: {  	s21 =	simm.s32 $0x3200;
	s22 =	rddreg [dreg:$0x1f]  }
0x70: {  	[tilespmem:s21], [sflag:$0x1] =	stream.linear.gather [hbm4b:s20+s4], $0x200, $0x38;
	[tilespmem:$0x1A400] =	vst v63  }
0x71: {  	s23 =	simm.s32 $0x3400;
	s24 =	sld [smem:$0x7E6]  }
0x72: {  	[tilespmem:s23], [sflag:$0x1] =	stream.linear.gather [hbm4b:s22+s4], $0x200, $0x38;
	[tilespmem:$0x1A400] =	vst v63  }
0x73: {  	s25 =	simm.s32 $0x3600;
	s26 =	sld [smem:$0x7E7]  }
0x74: {  	[tilespmem:s25], [sflag:$0x1] =	stream.linear.gather [hbm4b:s24+s4], $0x200, $0x38;
	[tilespmem:$0x1A400] =	vst v63  }
0x75: {  	s30 =	simm.s32 $0x3800;
	s14 =	sld [smem:$0x7E8]  }
0x76: {  	[tilespmem:s30], [sflag:$0x1] =	stream.linear.gather [hbm4b:s26+s4], $0x200, $0x38;
	[tilespmem:$0x1A400] =	vst v63  }
0x77: {  	s15 =	simm.s32 $0x3A00;
	s16 =	sld [smem:$0x7E9]  }
0x78: {  	[tilespmem:s15], [sflag:$0x1] =	stream.linear.gather [hbm4b:s14+s4], $0x200, $0x38;
	[tilespmem:$0x1A400] =	vst v63  }
0x79: {  	s17 =	simm.s32 $0x3C00;
	s18 =	sld [smem:$0x7EA]  }
0x7a: {  	[tilespmem:s17], [sflag:$0x1] =	stream.linear.gather [hbm4b:s16+s4], $0x200, $0x38;
	[tilespmem:$0x1A400] =	vst v63  }
0x7b: {  	s19 =	simm.s32 $0x3E00;
	s20 =	sld [smem:$0x7EB]  }
0x7c: {  	[tilespmem:s19], [sflag:$0x1] =	stream.linear.gather [hbm4b:s18+s4], $0x200, $0x38;
	[tilespmem:$0x1A400] =	vst v63  }
0x7d: {  	s21 =	simm.s32 $0x4000;
	s22 =	sld [smem:$0x7EC]  }
0x7e: {  	[tilespmem:s21], [sflag:$0x1] =	stream.linear.gather [hbm4b:s20+s4], $0x200, $0x38;
	[tilespmem:$0x1A400] =	vst v63  }
0x7f: {  	s23 =	simm.s32 $0x4200;
	s24 =	sld [smem:$0x7ED]  }
0x80: {  	[tilespmem:s23], [sflag:$0x1] =	stream.linear.gather [hbm4b:s22+s4], $0x200, $0x38;
	[tilespmem:$0x1A400] =	vst v63  }
0x81: {  	s25 =	simm.s32 $0x4400;
	s26 =	sld [smem:$0x7EE]  }
0x82: {  	[tilespmem:s25], [sflag:$0x1] =	stream.linear.gather [hbm4b:s24+s4], $0x200, $0x38;
	[tilespmem:$0x1A400] =	vst v63  }
0x83: {  	s30 =	simm.s32 $0x4600;
	s14 =	sld [smem:$0x7EF]  }
0x84: {  	[tilespmem:s30], [sflag:$0x1] =	stream.linear.gather [hbm4b:s26+s4], $0x200, $0x38;
	[tilespmem:$0x1A400] =	vst v63  }
0x85: {  	s15 =	simm.s32 $0x4800;
	s16 =	sld [smem:$0x7F0]  }
0x86: {  	[tilespmem:s15], [sflag:$0x1] =	stream.linear.gather [hbm4b:s14+s4], $0x200, $0x38;
	[tilespmem:$0x1A400] =	vst v63  }
0x87: {  	s17 =	simm.s32 $0x4A00;
	s18 =	sld [smem:$0x7F1]  }
0x88: {  	[tilespmem:s17], [sflag:$0x1] =	stream.linear.gather [hbm4b:s16+s4], $0x200, $0x38;
	[tilespmem:$0x1A400] =	vst v63  }
0x89: {  	s19 =	simm.s32 $0x4C00;
	s20 =	sld [smem:$0x7F2]  }
0x8a: {  	[tilespmem:s19], [sflag:$0x1] =	stream.linear.gather [hbm4b:s18+s4], $0x200, $0x38;
	[tilespmem:$0x1A400] =	vst v63  }
0x8b: {  	s21 =	simm.s32 $0x4E00;
	s22 =	sld [smem:$0x7F3]  }
0x8c: {  	[tilespmem:s21], [sflag:$0x1] =	stream.linear.gather [hbm4b:s20+s4], $0x200, $0x38;
	[tilespmem:$0x1A400] =	vst v63  }
0x8d: {  	s23 =	simm.s32 $0x5000;
	s24 =	sld [smem:$0x7F4]  }
0x8e: {  	[tilespmem:s23], [sflag:$0x1] =	stream.linear.gather [hbm4b:s22+s4], $0x200, $0x38;
	[tilespmem:$0x1A400] =	vst v63  }
0x8f: {  	s25 =	simm.s32 $0x5200;
	s26 =	sld [smem:$0x7F5]  }
0x90: {  	[tilespmem:s25], [sflag:$0x1] =	stream.linear.gather [hbm4b:s24+s4], $0x200, $0x38;
	[tilespmem:$0x1A400] =	vst v63  }
0x91: {  	s30 =	simm.s32 $0x5400;
	s14 =	sld [smem:$0x7F6]  }
0x92: {  	[tilespmem:s30], [sflag:$0x1] =	stream.linear.gather [hbm4b:s26+s4], $0x200, $0x38;
	[tilespmem:$0x1A400] =	vst v63  }
0x93: {  	s15 =	simm.s32 $0x5600;
	s16 =	sld [smem:$0x7F7]  }
0x94: {  	[tilespmem:s15], [sflag:$0x1] =	stream.linear.gather [hbm4b:s14+s4], $0x200, $0x38;
	[tilespmem:$0x1A400] =	vst v63  }
0x95: {  	s17 =	simm.s32 $0x5800;
	s18 =	sld [smem:$0x7F8]  }
0x96: {  	[tilespmem:s17], [sflag:$0x1] =	stream.linear.gather [hbm4b:s16+s4], $0x200, $0x38;
	[tilespmem:$0x1A400] =	vst v63  }
0x97: {  	s19 =	simm.s32 $0x5A00;
	s20 =	sld [smem:$0x7F9]  }
0x98: {  	[tilespmem:s19], [sflag:$0x1] =	stream.linear.gather [hbm4b:s18+s4], $0x200, $0x38;
	[tilespmem:$0x1A400] =	vst v63  }
0x99: {  	s21 =	simm.s32 $0x5C00;
	s22 =	sld [smem:$0x7FA]  }
0x9a: {  	[tilespmem:s21], [sflag:$0x1] =	stream.linear.gather [hbm4b:s20+s4], $0x200, $0x38;
	[tilespmem:$0x1A400] =	vst v63  }
0x9b: {  	s23 =	simm.s32 $0x5E00;
	s24 =	sld [smem:$0x7FB]  }
0x9c: {  	[tilespmem:s23], [sflag:$0x1] =	stream.linear.gather [hbm4b:s22+s4], $0x200, $0x38;
	[tilespmem:$0x1A400] =	vst v63  }
0x9d: {  	s25 =	simm.s32 $0x6000;
	s26 =	sld [smem:$0x7FC]  }
0x9e: {  	[tilespmem:s25], [sflag:$0x1] =	stream.linear.gather [hbm4b:s24+s4], $0x200, $0x38;
	[tilespmem:$0x1A400] =	vst v63  }
0x9f: {  	s30 =	simm.s32 $0x6200;
	s15 =	simm.s32 $0x1  }
0xa0: {  	[tilespmem:s30], [sflag:$0x1] =	stream.linear.gather [hbm4b:s26+s4], $0x200, $0x38;
	[tilespmem:$0x1A400] =	vst v63  }
0xa1: {  	_ =	swait.ge [sflag:s15], $0x6400  }
0xa2: {  	[sflag:s15] =	ssyncset.done $0x0  }
0xa3: {  	[sflag:s15] =	ssyncadd.s32 $0xFFFF9C00  }
0xa4: {  	[tilespmem:s1], [sflag:$0x2] =	stream.indirect.gather [hbm4b:s2+s31], $0x80, s4, s31, $0xb8;
	[tilespmem:$0x1A400] =	vst v63  }
0xa5: {  	p0 =	por $0x1, $0x1  }
0xa6: {  	[tilespmem:s0], [sflag:$0x3] =	stream.indirect.gather [hbm4b:s2+s31], $0x80, s31, s31, $0xb8;
	[tilespmem:$0x1A400] =	vst v63  }
0xa7: {  	s14 =	simm.s32 @!p0 $0xA;
	s16 =	simm.s32 $0x100  }
0xa8: {  	[tilespmem:s5], [sflag:$0x4] =	stream.indirect.gather [hbm4b:s2+s31], $0x80, s16, s31, $0xb8;
	[tilespmem:$0x1A400] =	vst v63  }
0xa9: {  	s17 =	simm.s32 $0x0;
	_ =	swait.ge @!p0 [sflag:s14], $0x4000  }
0xaa: {  	s13 =	smul.u32 $0x1F0000, s17;
	s18 =	simm.s32 $0x180;
	[sflag:s14] =	ssyncset.done @!p0 $0x0  }
0xab: {  	s19 =	simm.s32 $0x0;
	s22 =	rddreg [dreg:$0x15];
	[sflag:s14] =	ssyncadd.s32 @!p0 $0xFFFFC000  }
0xac: {  	[tilespmem:s6], [sflag:$0x5] =	stream.indirect.gather [hbm4b:s2+s31], $0x80, s18, s31, $0xb8;
	[tilespmem:$0x1A400] =	vst v63  }
0xad: {  	s13 =	sadd.s32 s13, s22;
	p0 =	por $0x1, $0x1;
	_ =	swait.ge [sflag:s7], $0x4000  }
0xae: {  	s14 =	smul.u32 $0x1F0000, s19;
	s13 =	sshrl.u32 s13, $0x3;
	[sflag:s7] =	ssyncset.done $0x0  }
0xaf: {  	s15 =	simm.s32 @!p0 $0xB;
	s13 =	sadd.s32 s3, s13;
	[sflag:s7] =	ssyncadd.s32 $0xFFFFC000  }
0xb0: {  	[hbm4b:s13+s4] =	stream.linear.scatter [tilespmem:s1], [sflag:$0x7], $0x4000, $0x38;
	[tilespmem:$0x1A400] =	vst v63  }
0xb1: {  	_ =	swait.ge @!p0 [sflag:s15], $0x4000  }
0xb2: {  	s20 =	sadd.s32 s14, s22;
	[sflag:s15] =	ssyncset.done @!p0 $0x0  }
0xb3: {  	s21 =	simm.s32 $0x200;
	s13 =	sadd.s32 $0x4000, s20;
	[sflag:s15] =	ssyncadd.s32 @!p0 $0xFFFFC000  }
0xb4: {  	[tilespmem:s8], [sflag:$0x6] =	stream.indirect.gather [hbm4b:s2+s31], $0x80, s21, s31, $0xb8;
	[tilespmem:$0x1A400] =	vst v63  }
0xb5: {  	s23 =	simm.s32 $0x0;
	s13 =	sshrl.u32 s13, $0x3;
	_ =	swait.ge [sflag:s9], $0x4000  }
0xb6: {  	s13 =	sadd.s32 s3, s13;
	p0 =	por $0x0, $0x0;
	[sflag:s9] =	ssyncset.done $0x0  }
0xb7: {  	s15 =	smul.u32 $0x1F0000, s23;
	s14 =	simm.s32 @!p0 $0x7;
	[sflag:s9] =	ssyncadd.s32 $0xFFFFC000  }
0xb8: {  	[hbm4b:s13+s4] =	stream.linear.scatter [tilespmem:s0], [sflag:$0x8], $0x4000, $0x38;
	[tilespmem:$0x1A400] =	vst v63  }
0xb9: {  	_ =	swait.ge @!p0 [sflag:s14], $0x4000  }
0xba: {  	s16 =	simm.s32 @!p0 $0x6400;
	s15 =	sadd.s32 s15, s22;
	[sflag:s14] =	ssyncset.done @!p0 $0x0  }
0xbb: {  	s13 =	simm.s32 @!p0 $0x80;
	[sflag:s14] =	ssyncadd.s32 @!p0 $0xFFFFC000;
	s14 =	simm.s32 @!p0 $0x280  }
0xbc: {  	[tilespmem:s16], [sflag:$0x2] =	stream.indirect.gather @!p0 [hbm4b:s2+s13], $0x80, s14, s13, $0xb8;
	[tilespmem:$0x1A400] =	vst v63  }
0xbd: {  	s25 =	simm.s32 $0x0;
	s15 =	sadd.s32 $0x8000, s15;
	_ =	swait.ge [sflag:s10], $0x4000  }
0xbe: {  	s24 =	sshrl.u32 s15, $0x3;
	s15 =	smul.u32 $0x1F0000, s25;
	[sflag:s10] =	ssyncset.done $0x0  }
0xbf: {  	s14 =	sadd.s32 s3, s24;
	s16 =	simm.s32 @!p0 $0x8;
	[sflag:s10] =	ssyncadd.s32 $0xFFFFC000  }
0xc0: {  	[hbm4b:s14+s4] =	stream.linear.scatter [tilespmem:s5], [sflag:$0x9], $0x4000, $0x38;
	[tilespmem:$0x1A400] =	vst v63  }
0xc1: {  	s29 =	simm.s32 $0x380;
	s28 =	simm.s32 $0xA;
	_ =	swait.ge @!p0 [sflag:s16], $0x4000  }
0xc2: {  	s30 =	simm.s32 $0x1;
	s26 =	sadd.s32 s15, s22;
	[sflag:s16] =	ssyncset.done @!p0 $0x0  }
0xc3: {  	s15 =	simm.s32 @!p0 $0xA400;
	[sflag:s16] =	ssyncadd.s32 @!p0 $0xFFFFC000;
	s16 =	simm.s32 @!p0 $0x300  }
0xc4: {  	[tilespmem:s15], [sflag:$0x3] =	stream.indirect.gather @!p0 [hbm4b:s2+s13], $0x80, s16, s13, $0xb8;
	[tilespmem:$0x1A400] =	vst v63  }
0xc5: {  	s19 =	simm.s32 $0x9;
	s14 =	sadd.s32 $0xC000, s26;
	_ =	swait.ge [sflag:s11], $0x4000  }
0xc6: {  	s20 =	sadd.s32 $0x14000, s22;
	s14 =	sshrl.u32 s14, $0x3;
	[sflag:s11] =	ssyncset.done $0x0  }
0xc7: {  	s23 =	simm.s32 $0x8;
	s14 =	sadd.s32 s3, s14;
	[sflag:s11] =	ssyncadd.s32 $0xFFFFC000  }
0xc8: {  	[hbm4b:s14+s4] =	stream.linear.scatter [tilespmem:s6], [sflag:$0xA], $0x4000, $0x38;
	[tilespmem:$0x1A400] =	vst v63  }
0xc9: {  	s21 =	simm.s32 $0x600;
	s25 =	simm.s32 $0x7;
	s14 =	smul.u32 $0x1F0000, s30  }
0xca: {  	s24 =	simm.s32 $0x5;
	s26 =	simm.s32 $0x6;
	s16 =	simm.s32 @!p0 $0x9  }
.LBB2_2:
0xcb: {  	_ =	swait.ge @!p0 [sflag:s16], $0x4000;
	s17 =	sadd.s32 s14, s22;
	s15 =	smov.u32 s28  }
0xcc: {  	s28 =	sadd.s32 $0x5, s28;
	s14 =	smov.u32 s19;
	s22 =	smov.u32 s20  }
0xcd: {  	s30 =	simm.s32 @!p0 $0xE400;
	[sflag:s16] =	ssyncset.done @!p0 $0x0;
	s17 =	sadd.s32 $0x10000, s17  }
0xce: {  	s18 =	sshrl.u32 s24, $0x2;
	[sflag:s16] =	ssyncadd.s32 @!p0 $0xFFFFC000;
	s16 =	sshrl.u32 s17, $0x3  }
0xcf: {  	[tilespmem:s30], [sflag:$0x4] =	stream.indirect.gather @!p0 [hbm4b:s2+s13], $0x80, s29, s13, $0xb8;
	[tilespmem:$0x1A400] =	vst v63  }
0xd0: {  	s13 =	smul.u32 $0x1F0000, s18;
	s16 =	sadd.s32 s3, s16;
	_ =	swait.ge [sflag:s12], $0x4000  }
0xd1: {  	p1 =	sne.s32 s28, $0xC8;
	s17 =	sadd.s32 $0xFFFFFFFE, s24;
	[sflag:s12] =	ssyncset.done $0x0  }
0xd2: {  	p2 =	sgt.u32 s17, $0xC2;
	s13 =	sadd.s32 s13, s20;
	[sflag:s12] =	ssyncadd.s32 $0xFFFFC000  }
0xd3: {  	s18 =	sadd.s32 $0xFFFFFFFF, s24;
	s17 =	simm.s32 @!p2 $0xA;
	s13 =	sshrl.u32 s13, $0x3  }
0xd4: {  	[hbm4b:s16+s4] =	stream.linear.scatter [tilespmem:s8], [sflag:$0xB], $0x4000, $0x38;
	[tilespmem:$0x1A400] =	vst v63  }
0xd5: {  	s29 =	smov.u32 s21;
	p0 =	sgt.u32 s18, $0xC2;
	_ =	swait.ge @!p2 [sflag:s17], $0x4000  }
0xd6: {  	[sflag:s17] =	ssyncset.done @!p2 $0x0  }
0xd7: {  	s16 =	sshrl.u32 s26, $0x2;
	[sflag:s17] =	ssyncadd.s32 @!p2 $0xFFFFC000;
	s17 =	sadd.s32 $0xFFFFFE00, s21  }
0xd8: {  	[tilespmem:s6], [sflag:$0x5] =	stream.indirect.gather [hbm4b:s2+s31], $0x80, s17, s31, $0xb8;
	[tilespmem:$0x1A400] =	vst v63  }
0xd9: {  	s16 =	smul.u32 $0x1F0000, s16;
	_ =	swait.ge [sflag:s7], $0x4000  }
0xda: {  	s17 =	simm.s32 @!p0 $0xB;
	[sflag:s7] =	ssyncset.done $0x0  }
0xdb: {  	s13 =	sadd.s32 s3, s13;
	s16 =	sadd.s32 s16, s20;
	[sflag:s7] =	ssyncadd.s32 $0xFFFFC000  }
0xdc: {  	[hbm4b:s13+s4] =	stream.linear.scatter [tilespmem:s1], [sflag:$0x7], $0x4000, $0x38;
	[tilespmem:$0x1A400] =	vst v63  }
0xdd: {  	s13 =	sadd.s32 $0x4000, s16;
	_ =	swait.ge @!p0 [sflag:s17], $0x4000  }
0xde: {  	s13 =	sshrl.u32 s13, $0x3;
	[sflag:s17] =	ssyncset.done @!p0 $0x0  }
0xdf: {  	s16 =	sadd.s32 $0xFFFFFE80, s21;
	[sflag:s17] =	ssyncadd.s32 @!p0 $0xFFFFC000;
	p0 =	seq.s32 s24, $0xC3  }
0xe0: {  	[tilespmem:s8], [sflag:$0x6] =	stream.indirect.gather [hbm4b:s2+s31], $0x80, s16, s31, $0xb8;
	[tilespmem:$0x1A400] =	vst v63  }
0xe1: {  	s24 =	smov.u32 s15;
	s16 =	simm.s32 @!p0 $0x7;
	_ =	swait.ge [sflag:s9], $0x4000  }
0xe2: {  	s15 =	sshrl.u32 s25, $0x2;
	s17 =	sshrl.u32 s23, $0x2;
	[sflag:s9] =	ssyncset.done $0x0  }
0xe3: {  	s13 =	sadd.s32 s3, s13;
	s15 =	smul.u32 $0x1F0000, s15;
	[sflag:s9] =	ssyncadd.s32 $0xFFFFC000  }
0xe4: {  	[hbm4b:s13+s4] =	stream.linear.scatter [tilespmem:s0], [sflag:$0x8], $0x4000, $0x38;
	[tilespmem:$0x1A400] =	vst v63  }
0xe5: {  	s15 =	sadd.s32 s15, s20;
	s13 =	simm.s32 @!p0 $0x80;
	_ =	swait.ge @!p0 [sflag:s16], $0x4000  }
0xe6: {  	s18 =	simm.s32 @!p0 $0x6400;
	s15 =	sadd.s32 $0x8000, s15;
	[sflag:s16] =	ssyncset.done @!p0 $0x0  }
0xe7: {  	s15 =	sshrl.u32 s15, $0x3;
	[sflag:s16] =	ssyncadd.s32 @!p0 $0xFFFFC000;
	s16 =	sadd.s32 @!p0 $0xFFFFFF00, s21  }
0xe8: {  	[tilespmem:s18], [sflag:$0x2] =	stream.indirect.gather @!p0 [hbm4b:s2+s13], $0x80, s16, s13, $0xb8;
	[tilespmem:$0x1A400] =	vst v63  }
0xe9: {  	s15 =	sadd.s32 s3, s15;
	s16 =	simm.s32 @!p0 $0x8;
	_ =	swait.ge [sflag:s10], $0x4000  }
0xea: {  	s23 =	sadd.s32 $0x5, s23;
	s17 =	smul.u32 $0x1F0000, s17;
	[sflag:s10] =	ssyncset.done $0x0  }
0xeb: {  	s19 =	sadd.s32 $0x5, s19;
	s26 =	sadd.s32 $0x5, s26;
	[sflag:s10] =	ssyncadd.s32 $0xFFFFC000  }
0xec: {  	[hbm4b:s15+s4] =	stream.linear.scatter [tilespmem:s5], [sflag:$0x9], $0x4000, $0x38;
	[tilespmem:$0x1A400] =	vst v63  }
0xed: {  	s14 =	sshrl.u32 s14, $0x2;
	s15 =	sadd.s32 s17, s20;
	_ =	swait.ge @!p0 [sflag:s16], $0x4000  }
0xee: {  	s17 =	simm.s32 @!p0 $0xA400;
	s15 =	sadd.s32 $0xC000, s15;
	[sflag:s16] =	ssyncset.done @!p0 $0x0  }
0xef: {  	s15 =	sshrl.u32 s15, $0x3;
	[sflag:s16] =	ssyncadd.s32 @!p0 $0xFFFFC000;
	s16 =	sadd.s32 @!p0 $0xFFFFFF80, s21  }
0xf0: {  	[tilespmem:s17], [sflag:$0x3] =	stream.indirect.gather @!p0 [hbm4b:s2+s13], $0x80, s16, s13, $0xb8;
	[tilespmem:$0x1A400] =	vst v63  }
.Ltmp0:
0xf1: {  	_ = 	snop;
	(pc) =	sbr.rel @p1 .LBB2_2-.Ltmp0, $4  }
0xf2: {  	s15 =	sadd.s32 s3, s15;
	s16 =	simm.s32 @!p0 $0x9;
	_ =	swait.ge [sflag:s11], $0x4000  }
0xf3: {  	s14 =	smul.u32 $0x1F0000, s14;
	s25 =	sadd.s32 $0x5, s25;
	[sflag:s11] =	ssyncset.done $0x0  }
0xf4: {  	s20 =	sadd.s32 $0x14000, s20;
	s21 =	sadd.s32 $0x280, s21;
	[sflag:s11] =	ssyncadd.s32 $0xFFFFC000  }
0xf5: {  	[hbm4b:s15+s4] =	stream.linear.scatter [tilespmem:s6], [sflag:$0xA], $0x4000, $0x38;
	[tilespmem:$0x1A400] =	vst v63  }
0xf6: {  	_ =	swait.ge @!p0 [sflag:s16], $0x4000  }
0xf7: {  	[sflag:s16] =	ssyncset.done @!p0 $0x0  }
0xf8: {  	s15 =	simm.s32 @!p0 $0xE400;
	s18 =	sadd.s32 s14, s22;
	[sflag:s16] =	ssyncadd.s32 @!p0 $0xFFFFC000  }
0xf9: {  	[tilespmem:s15], [sflag:$0x4] =	stream.indirect.gather @!p0 [hbm4b:s2+s13], $0x80, s29, s13, $0xb8;
	[tilespmem:$0x1A400] =	vst v63  }
0xfa: {  	s22 =	sadd.s32 $0xFFFFFFFE, s24;
	s13 =	sadd.s32 $0x10000, s18;
	_ =	swait.ge [sflag:s12], $0x4000  }
0xfb: {  	p0 =	sgt.u32 s22, $0xC2;
	s13 =	sshrl.u32 s13, $0x3;
	[sflag:s12] =	ssyncset.done $0x0  }
0xfc: {  	s14 =	simm.s32 @!p0 $0xA;
	s13 =	sadd.s32 s3, s13;
	[sflag:s12] =	ssyncadd.s32 $0xFFFFC000  }
0xfd: {  	[hbm4b:s13+s4] =	stream.linear.scatter [tilespmem:s8], [sflag:$0xB], $0x4000, $0x38;
	[tilespmem:$0x1A400] =	vst v63  }
0xfe: {  	_ =	swait.ge @!p0 [sflag:s14], $0x4000  }
0xff: {  	s28 =	sshrl.u32 s24, $0x2;
	s30 =	sadd.s32 $0xFFFFFFFF, s24;
	[sflag:s14] =	ssyncset.done @!p0 $0x0  }
0x100: {  	s29 =	sadd.s32 $0xFFFFFE00, s21;
	s13 =	smul.u32 $0x1F0000, s28;
	[sflag:s14] =	ssyncadd.s32 @!p0 $0xFFFFC000  }
0x101: {  	[tilespmem:s6], [sflag:$0x5] =	stream.indirect.gather [hbm4b:s2+s31], $0x80, s29, s31, $0xb8;
	[tilespmem:$0x1A400] =	vst v63  }
0x102: {  	s15 =	sshrl.u32 s26, $0x2;
	s13 =	sadd.s32 s13, s20;
	_ =	swait.ge [sflag:s7], $0x4000  }
0x103: {  	s13 =	sshrl.u32 s13, $0x3;
	p0 =	sgt.u32 s30, $0xC2;
	[sflag:s7] =	ssyncset.done $0x0  }
0x104: {  	s13 =	sadd.s32 s3, s13;
	s14 =	simm.s32 @!p0 $0xB;
	[sflag:s7] =	ssyncadd.s32 $0xFFFFC000  }
0x105: {  	[hbm4b:s13+s4] =	stream.linear.scatter [tilespmem:s1], [sflag:$0x7], $0x4000, $0x38;
	[tilespmem:$0x1A400] =	vst v63  }
0x106: {  	s13 =	smul.u32 $0x1F0000, s15;
	_ =	swait.ge @!p0 [sflag:s14], $0x4000  }
0x107: {  	[sflag:s14] =	ssyncset.done @!p0 $0x0  }
0x108: {  	s16 =	sadd.s32 $0xFFFFFE80, s21;
	s13 =	sadd.s32 s13, s20;
	[sflag:s14] =	ssyncadd.s32 @!p0 $0xFFFFC000  }
0x109: {  	[tilespmem:s8], [sflag:$0x6] =	stream.indirect.gather [hbm4b:s2+s31], $0x80, s16, s31, $0xb8;
	[tilespmem:$0x1A400] =	vst v63  }
0x10a: {  	s17 =	sshrl.u32 s25, $0x2;
	s13 =	sadd.s32 $0x4000, s13;
	_ =	swait.ge [sflag:s9], $0x4000  }
0x10b: {  	p0 =	seq.s32 s24, $0xC3;
	s13 =	sshrl.u32 s13, $0x3;
	[sflag:s9] =	ssyncset.done $0x0  }
0x10c: {  	s14 =	simm.s32 @!p0 $0x7;
	s13 =	sadd.s32 s3, s13;
	[sflag:s9] =	ssyncadd.s32 $0xFFFFC000  }
0x10d: {  	[hbm4b:s13+s4] =	stream.linear.scatter [tilespmem:s0], [sflag:$0x8], $0x4000, $0x38;
	[tilespmem:$0x1A400] =	vst v63  }
0x10e: {  	s13 =	smul.u32 $0x1F0000, s17;
	_ =	swait.ge @!p0 [sflag:s14], $0x4000  }
0x10f: {  	s15 =	simm.s32 @!p0 $0x80;
	s16 =	simm.s32 @!p0 $0x6400;
	[sflag:s14] =	ssyncset.done @!p0 $0x0  }
0x110: {  	s13 =	sadd.s32 s13, s20;
	[sflag:s14] =	ssyncadd.s32 @!p0 $0xFFFFC000;
	s14 =	sadd.s32 @!p0 $0xFFFFFF00, s21  }
0x111: {  	[tilespmem:s16], [sflag:$0x2] =	stream.indirect.gather @!p0 [hbm4b:s2+s15], $0x80, s14, s15, $0xb8;
	[tilespmem:$0x1A400] =	vst v63  }
0x112: {  	s13 =	sadd.s32 $0x8000, s13;
	_ =	swait.ge [sflag:s10], $0x4000  }
0x113: {  	s18 =	sshrl.u32 s23, $0x2;
	s13 =	sshrl.u32 s13, $0x3;
	[sflag:s10] =	ssyncset.done $0x0  }
0x114: {  	s14 =	simm.s32 @!p0 $0x8;
	s13 =	sadd.s32 s3, s13;
	[sflag:s10] =	ssyncadd.s32 $0xFFFFC000  }
0x115: {  	[hbm4b:s13+s4] =	stream.linear.scatter [tilespmem:s5], [sflag:$0x9], $0x4000, $0x38;
	[tilespmem:$0x1A400] =	vst v63  }
0x116: {  	s13 =	smul.u32 $0x1F0000, s18;
	_ =	swait.ge @!p0 [sflag:s14], $0x4000  }
0x117: {  	s16 =	simm.s32 @!p0 $0xA400;
	[sflag:s14] =	ssyncset.done @!p0 $0x0  }
0x118: {  	s13 =	sadd.s32 s13, s20;
	[sflag:s14] =	ssyncadd.s32 @!p0 $0xFFFFC000;
	s14 =	sadd.s32 @!p0 $0xFFFFFF80, s21  }
0x119: {  	[tilespmem:s16], [sflag:$0x3] =	stream.indirect.gather @!p0 [hbm4b:s2+s15], $0x80, s14, s15, $0xb8;
	[tilespmem:$0x1A400] =	vst v63  }
0x11a: {  	s13 =	sadd.s32 $0xC000, s13;
	_ =	swait.ge [sflag:s11], $0x4000  }
0x11b: {  	s13 =	sshrl.u32 s13, $0x3;
	[sflag:s11] =	ssyncset.done $0x0  }
0x11c: {  	s13 =	sadd.s32 s3, s13;
	[sflag:s11] =	ssyncadd.s32 $0xFFFFC000  }
0x11d: {  	[hbm4b:s13+s4] =	stream.linear.scatter [tilespmem:s6], [sflag:$0xA], $0x4000, $0x38;
	[tilespmem:$0x1A400] =	vst v63  }
0x11e: {  	s19 =	sshrl.u32 s19, $0x2;
	s13 =	simm.s32 @!p0 $0x9  }
0x11f: {  	s14 =	smul.u32 $0x1F0000, s19;
	_ =	swait.ge @!p0 [sflag:s13], $0x4000  }
0x120: {  	[sflag:s13] =	ssyncset.done @!p0 $0x0  }
0x121: {  	s22 =	sadd.s32 s14, s20;
	[sflag:s13] =	ssyncadd.s32 @!p0 $0xFFFFC000;
	s13 =	simm.s32 @!p0 $0xE400  }
0x122: {  	[tilespmem:s13], [sflag:$0x4] =	stream.indirect.gather @!p0 [hbm4b:s2+s15], $0x80, s21, s15, $0xb8;
	[tilespmem:$0x1A400] =	vst v63  }
0x123: {  	s13 =	sadd.s32 $0x10000, s22;
	_ =	swait.ge [sflag:s12], $0x4000  }
0x124: {  	s13 =	sshrl.u32 s13, $0x3;
	[sflag:s12] =	ssyncset.done $0x0  }
0x125: {  	s23 =	simm.s32 $0x7;
	s13 =	sadd.s32 s3, s13;
	[sflag:s12] =	ssyncadd.s32 $0xFFFFC000  }
0x126: {  	[hbm4b:s13+s4] =	stream.linear.scatter [tilespmem:s8], [sflag:$0xB], $0x4000, $0x38;
	[tilespmem:$0x1A400] =	vst v63  }
0x127: {  	_ =	swait.ge [sflag:s23], $0x4000  }
0x128: {  	[sflag:s23] =	ssyncset.done $0x0  }
0x129: {  	s24 =	simm.s32 $0x8;
	[sflag:s23] =	ssyncadd.s32 $0xFFFFC000  }
0x12a: {  	_ =	swait.ge [sflag:s24], $0x4000  }
0x12b: {  	[sflag:s24] =	ssyncset.done $0x0  }
0x12c: {  	s25 =	simm.s32 $0x9;
	[sflag:s24] =	ssyncadd.s32 $0xFFFFC000  }
0x12d: {  	_ =	swait.ge [sflag:s25], $0x4000  }
0x12e: {  	[sflag:s25] =	ssyncset.done $0x0  }
0x12f: {  	s26 =	simm.s32 $0xA;
	[sflag:s25] =	ssyncadd.s32 $0xFFFFC000  }
0x130: {  	_ =	swait.ge [sflag:s26], $0x4000  }
0x131: {  	[sflag:s26] =	ssyncset.done $0x0  }
0x132: {  	s28 =	simm.s32 $0xB;
	[sflag:s26] =	ssyncadd.s32 $0xFFFFC000  }
0x133: {  	_ =	swait.ge [sflag:s28], $0x4000  }
0x134: {  	s29 =	sld [smem:$0x7E5]  }
0x135: {  	s30 =	sld [smem:$0x7FD];
	_ =	sdelay $0x1  }
0x136: {  	s15 =	sadd.s32 $0x1, s29  }
0x137: {  	p0 =	sne.s32 s15, s30  }
.Ltmp1:
0x138: {  	_ = 	snop;
	(pc) =	sbr.rel @p0 .LBB2_1-.Ltmp1, $3  }
0x139: {  	_ =	sdelay $0x1  }
0x13a: {  	[sflag:s28] =	ssyncset.done $0x0  }
0x13b: {  	[sflag:s28] =	ssyncadd.s32 $0xFFFFC000  }
0x13c: {  	_ =	sfence.sel $0x180000  }
0x13d: {  	[bflag:$0x0] =	sbarrier.arrive $0xFFFF  }
0x13e: {  	_ =	strace $0x90000047  }
0x13f: {  	s0 =	stileid.u32;
	[bflag:$0x2] =	sbarrier.arrive $0xFFFF  }
0x140: {  	p0 =	sne.s32 s0, $0x0;
	s0 =	rddreg [dreg:$0x3]  }
0x141: {  	s0 =	sadd.s32 @!p0 $0x100000, s0  }
0x142: {  	[sflag:s0] =	ssyncadd.tile.s32 @!p0 $0x1;
	_ =	shalt  }
.Lfunc_end2:
_tile_overlayer_lowered:
.L_overlay_start_2:
0x143: {  	(tag) =	ssettag $0x2  }
0x144: {  	s0 =	rddreg [dreg:$0x0];
	s2 =	stileid.u32  }
0x145: {  	s1 =	rddreg [dreg:$0x1];
	p0 =	sne.s32 s2, $0x0  }
0x146: {  	s3 =	rddreg [dreg:$0x2];
	[bflag:$0x3] =	sbarrier.arrive $0xFFFF;
	s2 =	simm.s32 @!p0 $0x1C0C  }
0x147: {  	[timem:s3], [sflag:s2] =	dma.local @!p0 [hbm:s0], s1  }
0x148: {  	s0 =	simm.s32 @!p0 $0xC  }
0x149: {  	_ =	swait.ge @!p0 [sflag:s0], s1  }
0x14a: {  	s1 =	ssub.s32 @!p0 $0x0, s1;
	[sflag:s0] =	ssyncset.done @!p0 $0x0  }
0x14b: {  	[sflag:s0] =	ssyncadd.s32 @!p0 s1  }
0x14c: {  	[bflag:$0x3] =	sbarrier.arrive $0xFFFF  }
0x14d: {  	_ =	shalt  }

</sc_bundles>
